<compile_context>
chip_gen: v7x
topology: tpu7x:2x2x1
jax: 0.10.2.dev20260603
libtpu: 0.0.44.dev20260713+nightly
codegen_flags: <defaults>
</compile_context>

<pallas_src>
import functools

import jax
import jax.numpy as jnp
from jax import lax
from jax.experimental import pallas as pl
from jax.experimental.pallas import tpu as pltpu
from jax.experimental.pallas import tpu_sc as plsc

BATCH = 4096
DIM = 128
LANES = 16
NCHUNK = DIM // LANES
BPW = BATCH // 32


def _ctx_kernel(
    sess_idx_hbm,
    subj_idx_hbm,
    sess_tab_hbm,
    subj_tab_hbm,
    sess_flag_hbm,
    subj_flag_hbm,
    out_hbm,
    sidx_v,
    bidx_v,
    soidx_v,
    boidx_v,
    sess_rows_v,
    subj_rows_v,
    sflag_v,
    bflag_v,
    sem_s,
    sem_b,
    sem_os,
    sem_ob,
):
    nc = 2
    wid = lax.axis_index("s") * nc + lax.axis_index("c")
    base = wid * BPW

    pltpu.sync_copy(sess_idx_hbm.at[pl.ds(base, BPW)], sidx_v)
    pltpu.sync_copy(subj_idx_hbm.at[pl.ds(base, BPW)], bidx_v)
    pltpu.sync_copy(sess_flag_hbm, sflag_v)
    pltpu.sync_copy(subj_flag_hbm, bflag_v)

    gs = pltpu.async_copy(sess_tab_hbm.at[sidx_v], sess_rows_v, sem_s)
    gb = pltpu.async_copy(subj_tab_hbm.at[bidx_v], subj_rows_v, sem_b)

    lane = lax.iota(jnp.int32, LANES)
    for j in range(NCHUNK):
        row = 2 * (base + j * LANES + lane)
        soidx_v[pl.ds(j * LANES, LANES)] = row
        boidx_v[pl.ds(j * LANES, LANES)] = row + 1

    sfl = [sflag_v[pl.ds(j * LANES, LANES)] for j in range(NCHUNK)]
    bfl = [bflag_v[pl.ds(j * LANES, LANES)] for j in range(NCHUNK)]

    gs.wait()

    def add_sess(i, _):
        for j in range(NCHUNK):
            sl = pl.ds(j * LANES, LANES)
            sess_rows_v[i, sl] = sess_rows_v[i, sl] + sfl[j]
        return _

    lax.fori_loop(0, BPW, add_sess, 0, unroll=2)
    os_dma = pltpu.async_copy(sess_rows_v, out_hbm.at[soidx_v], sem_os)

    gb.wait()

    def add_subj(i, _):
        for j in range(NCHUNK):
            sl = pl.ds(j * LANES, LANES)
            subj_rows_v[i, sl] = subj_rows_v[i, sl] + bfl[j]
        return _

    lax.fori_loop(0, BPW, add_subj, 0, unroll=2)
    ob_dma = pltpu.async_copy(subj_rows_v, out_hbm.at[boidx_v], sem_ob)

    os_dma.wait()
    ob_dma.wait()


@jax.jit
def kernel(session_idx, subject_idx, session_table, subject_table, session_flag, subject_flag):
    mesh = plsc.VectorSubcoreMesh(core_axis_name="c", subcore_axis_name="s")
    run = functools.partial(
        pl.kernel,
        mesh=mesh,
        out_type=jax.ShapeDtypeStruct((2 * BATCH, DIM), jnp.float32),
        scratch_types=[
            pltpu.VMEM((BPW,), jnp.int32),
            pltpu.VMEM((BPW,), jnp.int32),
            pltpu.VMEM((BPW,), jnp.int32),
            pltpu.VMEM((BPW,), jnp.int32),
            pltpu.VMEM((BPW, DIM), jnp.float32),
            pltpu.VMEM((BPW, DIM), jnp.float32),
            pltpu.VMEM((DIM,), jnp.float32),
            pltpu.VMEM((DIM,), jnp.float32),
            pltpu.SemaphoreType.DMA,
            pltpu.SemaphoreType.DMA,
            pltpu.SemaphoreType.DMA,
            pltpu.SemaphoreType.DMA,
        ],
    )(_ctx_kernel)
    flat = run(
        session_idx.astype(jnp.int32),
        subject_idx.astype(jnp.int32),
        session_table,
        subject_table,
        session_flag,
        subject_flag,
    )
    return flat.reshape(BATCH, 2, DIM)

# --- scband reference (transcript-rebuilt; emitter-appended) ---
"""Pipeline reference for scband-context-manager-7627861917856 (READ-ONLY COPY).

The authoritative reference and input builder live on the scoring server;
editing this copy changes nothing except your own understanding.
"""

import jax, jax.numpy as jnp
import numpy as np

BATCH = 4096
VOCAB = 1000
DIM = 128


def setup_inputs(seed: int = 0) -> dict:
    key = jax.random.key(seed)
    k1, k2, k3, k4, k5, k6 = jax.random.split(key, 6)
    session_idx = jax.random.randint(k1, (BATCH,), 0, VOCAB)
    subject_idx = jax.random.randint(k2, (BATCH,), 0, VOCAB)
    # Learned parameters: InfiniteVocabEmbedding ~ embedding table with init_scale=1.0,
    # plus a per-key flag vector initialized randn(dim)/sqrt(dim).
    session_table = jax.random.normal(k3, (VOCAB, DIM), dtype=jnp.float32)
    subject_table = jax.random.normal(k4, (VOCAB, DIM), dtype=jnp.float32)
    session_flag = jax.random.normal(k5, (DIM,), dtype=jnp.float32) / np.sqrt(DIM)
    subject_flag = jax.random.normal(k6, (DIM,), dtype=jnp.float32) / np.sqrt(DIM)
    return {
        "session_idx": session_idx,
        "subject_idx": subject_idx,
        "session_table": session_table,
        "subject_table": subject_table,
        "session_flag": session_flag,
        "subject_flag": subject_flag,
    }


def reference(session_idx, subject_idx, session_table, subject_table, session_flag, subject_flag):
    # For each ctx key: emb(token) + flag, cast to target dtype (float32 here),
    # then stack along dim=1 -> [B, n_keys, dim]
    session_emb = jnp.take(session_table, session_idx, axis=0) + session_flag
    subject_emb = jnp.take(subject_table, subject_idx, axis=0) + subject_flag
    ctx_emb = jnp.stack([session_emb.astype(jnp.float32), subject_emb.astype(jnp.float32)], axis=1)
    return ctx_emb

if __name__ == "__main__":
    import jax
    _d = setup_inputs()
    print(jax.jit(kernel)(*tuple(_d.values())))

</pallas_src>

<mosaic_0001>
#map = affine_map<(d0, d1) -> (0)>
#map1 = affine_map<(d0, d1) -> (0, 0)>
module attributes {stable_mosaic.version = 14 : i64} {
  func.func @_ctx_kernel(%arg0: i32, %arg1: i32, %arg2: memref<4096xi32, #tpu.memory_space<hbm>>, %arg3: memref<4096xi32, #tpu.memory_space<hbm>>, %arg4: memref<1000x128xf32, #tpu.memory_space<hbm>>, %arg5: memref<1000x128xf32, #tpu.memory_space<hbm>>, %arg6: memref<128xf32, #tpu.memory_space<hbm>>, %arg7: memref<128xf32, #tpu.memory_space<hbm>>, %arg8: memref<8192x128xf32, #tpu.memory_space<hbm>>, %arg9: memref<128xi32, #tpu.memory_space<vmem>>, %arg10: memref<128xi32, #tpu.memory_space<vmem>>, %arg11: memref<128xi32, #tpu.memory_space<vmem>>, %arg12: memref<128xi32, #tpu.memory_space<vmem>>, %arg13: memref<128x128xf32, #tpu.memory_space<vmem>>, %arg14: memref<128x128xf32, #tpu.memory_space<vmem>>, %arg15: memref<128xf32, #tpu.memory_space<vmem>>, %arg16: memref<128xf32, #tpu.memory_space<vmem>>, %arg17: memref<!tpu.dma_semaphore, #tpu.memory_space<semaphore_mem>>, %arg18: memref<!tpu.dma_semaphore, #tpu.memory_space<semaphore_mem>>, %arg19: memref<!tpu.dma_semaphore, #tpu.memory_space<semaphore_mem>>, %arg20: memref<!tpu.dma_semaphore, #tpu.memory_space<semaphore_mem>>) attributes {dimension_semantics = [#tpu.dimension_semantics<core_parallel>, #tpu.dimension_semantics<subcore_parallel>], iteration_bounds = array<i64: 2, 16>, scalar_prefetch = 0 : i64, scratch_operands = 12 : i64, tpu.core_type = #tpu.core_type<sc_vector_subcore>, window_params = [{transform_indices = #map}, {transform_indices = #map}, {transform_indices = #map1}, {transform_indices = #map1}, {transform_indices = #map}, {transform_indices = #map}, {transform_indices = #map1}]} {
    %mul3A = arith.constant 2 : i32
    %mul3A_0 = arith.muli %arg1, %mul3A : i32
    %add3A = arith.addi %mul3A_0, %arg0 : i32
    %mul3A_1 = arith.constant 128 : i32
    %mul3A_2 = arith.muli %add3A, %mul3A_1 : i32
    "tpu.region"() ({
      %run_scoped3A = tpu.sem_alloc : memref<!tpu.dma_semaphore, #tpu.memory_space<semaphore_mem>>
      %dma_start3A_226 = tpu.memref_slice %arg2[%mul3A_2] : memref<4096xi32, #tpu.memory_space<hbm>> -> memref<128xi32, #tpu.memory_space<hbm>>
      %dma_start3A_227 = tpu.memref_slice %arg2[%mul3A_2] : memref<4096xi32, #tpu.memory_space<hbm>> -> memref<128xi32, #tpu.memory_space<hbm>>
      tpu.enqueue_dma source(%dma_start3A_227 : memref<128xi32, #tpu.memory_space<hbm>>) target(%arg9 : memref<128xi32, #tpu.memory_space<vmem>>) target_semaphore(%run_scoped3A : memref<!tpu.dma_semaphore, #tpu.memory_space<semaphore_mem>>)
      %dma_wait3A_228 = tpu.memref_slice %arg2[%mul3A_2] : memref<4096xi32, #tpu.memory_space<hbm>> -> memref<128xi32, #tpu.memory_space<hbm>>
      %dma_wait3A_229 = tpu.memref_slice %arg2[%mul3A_2] : memref<4096xi32, #tpu.memory_space<hbm>> -> memref<128xi32, #tpu.memory_space<hbm>>
      tpu.wait_dma2 semaphore(%run_scoped3A : memref<!tpu.dma_semaphore, #tpu.memory_space<semaphore_mem>>) src(%dma_wait3A_229 : memref<128xi32, #tpu.memory_space<hbm>>) dst(%arg9 : memref<128xi32, #tpu.memory_space<vmem>>)
      tpu.yield
    }) : () -> ()
    "tpu.region"() ({
      %run_scoped3A = tpu.sem_alloc : memref<!tpu.dma_semaphore, #tpu.memory_space<semaphore_mem>>
      %dma_start3A_226 = tpu.memref_slice %arg3[%mul3A_2] : memref<4096xi32, #tpu.memory_space<hbm>> -> memref<128xi32, #tpu.memory_space<hbm>>
      %dma_start3A_227 = tpu.memref_slice %arg3[%mul3A_2] : memref<4096xi32, #tpu.memory_space<hbm>> -> memref<128xi32, #tpu.memory_space<hbm>>
      tpu.enqueue_dma source(%dma_start3A_227 : memref<128xi32, #tpu.memory_space<hbm>>) target(%arg10 : memref<128xi32, #tpu.memory_space<vmem>>) target_semaphore(%run_scoped3A : memref<!tpu.dma_semaphore, #tpu.memory_space<semaphore_mem>>)
      %dma_wait3A_228 = tpu.memref_slice %arg3[%mul3A_2] : memref<4096xi32, #tpu.memory_space<hbm>> -> memref<128xi32, #tpu.memory_space<hbm>>
      %dma_wait3A_229 = tpu.memref_slice %arg3[%mul3A_2] : memref<4096xi32, #tpu.memory_space<hbm>> -> memref<128xi32, #tpu.memory_space<hbm>>
      tpu.wait_dma2 semaphore(%run_scoped3A : memref<!tpu.dma_semaphore, #tpu.memory_space<semaphore_mem>>) src(%dma_wait3A_229 : memref<128xi32, #tpu.memory_space<hbm>>) dst(%arg10 : memref<128xi32, #tpu.memory_space<vmem>>)
      tpu.yield
    }) : () -> ()
    "tpu.region"() ({
      %run_scoped3A = tpu.sem_alloc : memref<!tpu.dma_semaphore, #tpu.memory_space<semaphore_mem>>
      tpu.enqueue_dma source(%arg6 : memref<128xf32, #tpu.memory_space<hbm>>) target(%arg15 : memref<128xf32, #tpu.memory_space<vmem>>) target_semaphore(%run_scoped3A : memref<!tpu.dma_semaphore, #tpu.memory_space<semaphore_mem>>)
      tpu.wait_dma2 semaphore(%run_scoped3A : memref<!tpu.dma_semaphore, #tpu.memory_space<semaphore_mem>>) src(%arg6 : memref<128xf32, #tpu.memory_space<hbm>>) dst(%arg15 : memref<128xf32, #tpu.memory_space<vmem>>)
      tpu.yield
    }) : () -> ()
    "tpu.region"() ({
      %run_scoped3A = tpu.sem_alloc : memref<!tpu.dma_semaphore, #tpu.memory_space<semaphore_mem>>
      tpu.enqueue_dma source(%arg7 : memref<128xf32, #tpu.memory_space<hbm>>) target(%arg16 : memref<128xf32, #tpu.memory_space<vmem>>) target_semaphore(%run_scoped3A : memref<!tpu.dma_semaphore, #tpu.memory_space<semaphore_mem>>)
      tpu.wait_dma2 semaphore(%run_scoped3A : memref<!tpu.dma_semaphore, #tpu.memory_space<semaphore_mem>>) src(%arg7 : memref<128xf32, #tpu.memory_space<hbm>>) dst(%arg16 : memref<128xf32, #tpu.memory_space<vmem>>)
      tpu.yield
    }) : () -> ()
    %dma_start3A = arith.constant 0 : i32
    %dma_start3A_3 = arith.constant 0 : i32
    %dma_start3A_4 = tpu.memref_slice %arg4[%dma_start3A, %dma_start3A_3] : memref<1000x128xf32, #tpu.memory_space<hbm>> -> memref<1000x128xf32, #tpu.memory_space<hbm>>
    tpu.enqueue_indirect_dma source(%dma_start3A_4 : memref<1000x128xf32, #tpu.memory_space<hbm>>) target(%arg13 : memref<128x128xf32, #tpu.memory_space<vmem>>) offsets(%arg9 : memref<128xi32, #tpu.memory_space<vmem>>) semaphore(%arg17 : memref<!tpu.dma_semaphore, #tpu.memory_space<semaphore_mem>>)
    %dma_start3A_5 = arith.constant 0 : i32
    %dma_start3A_6 = arith.constant 0 : i32
    %dma_start3A_7 = tpu.memref_slice %arg5[%dma_start3A_5, %dma_start3A_6] : memref<1000x128xf32, #tpu.memory_space<hbm>> -> memref<1000x128xf32, #tpu.memory_space<hbm>>
    tpu.enqueue_indirect_dma source(%dma_start3A_7 : memref<1000x128xf32, #tpu.memory_space<hbm>>) target(%arg14 : memref<128x128xf32, #tpu.memory_space<vmem>>) offsets(%arg10 : memref<128xi32, #tpu.memory_space<vmem>>) semaphore(%arg18 : memref<!tpu.dma_semaphore, #tpu.memory_space<semaphore_mem>>)
    %iota3A = tpu.iota {dimensions = array<i32: 0>} : vector<16xi32>
    %add3A_8 = arith.constant 0 : i32
    %add3A_9 = arith.addi %mul3A_2, %add3A_8 : i32
    %add3A_10 = vector.broadcast %add3A_9 : i32 to vector<16xi32>
    %add3A_11 = arith.addi %add3A_10, %iota3A : vector<16xi32>
    %mul3A_12 = arith.constant 2 : i32
    %mul3A_13 = vector.broadcast %mul3A_12 : i32 to vector<16xi32>
    %mul3A_14 = arith.muli %mul3A_13, %add3A_11 : vector<16xi32>
    %swap3A = arith.constant 0 : index
    %swap3A_15 = tpu.vector_load %arg11[%swap3A] {strides = array<i32>} : memref<128xi32, #tpu.memory_space<vmem>>, vector<16xi32>,
    %swap3A_16 = vector.shape_cast %swap3A_15 : vector<16xi32> to vector<16xi32>
    %swap3A_17 = vector.shape_cast %mul3A_14 : vector<16xi32> to vector<16xi32>
    tpu.vector_store %arg11[%swap3A], %swap3A_17 {strides = array<i32>} : memref<128xi32, #tpu.memory_space<vmem>>, vector<16xi32>,
    %add3A_18 = arith.constant 1 : i32
    %add3A_19 = vector.broadcast %add3A_18 : i32 to vector<16xi32>
    %add3A_20 = arith.addi %mul3A_14, %add3A_19 : vector<16xi32>
    %swap3A_21 = arith.constant 0 : index
    %swap3A_22 = tpu.vector_load %arg12[%swap3A_21] {strides = array<i32>} : memref<128xi32, #tpu.memory_space<vmem>>, vector<16xi32>,
    %swap3A_23 = vector.shape_cast %swap3A_22 : vector<16xi32> to vector<16xi32>
    %swap3A_24 = vector.shape_cast %add3A_20 : vector<16xi32> to vector<16xi32>
    tpu.vector_store %arg12[%swap3A_21], %swap3A_24 {strides = array<i32>} : memref<128xi32, #tpu.memory_space<vmem>>, vector<16xi32>,
    %add3A_25 = arith.constant 16 : i32
    %add3A_26 = arith.addi %mul3A_2, %add3A_25 : i32
    %add3A_27 = vector.broadcast %add3A_26 : i32 to vector<16xi32>
    %add3A_28 = arith.addi %add3A_27, %iota3A : vector<16xi32>
    %mul3A_29 = arith.constant 2 : i32
    %mul3A_30 = vector.broadcast %mul3A_29 : i32 to vector<16xi32>
    %mul3A_31 = arith.muli %mul3A_30, %add3A_28 : vector<16xi32>
    %swap3A_32 = arith.constant 16 : index
    %swap3A_33 = tpu.vector_load %arg11[%swap3A_32] {strides = array<i32>} : memref<128xi32, #tpu.memory_space<vmem>>, vector<16xi32>,
    %swap3A_34 = vector.shape_cast %swap3A_33 : vector<16xi32> to vector<16xi32>
    %swap3A_35 = vector.shape_cast %mul3A_31 : vector<16xi32> to vector<16xi32>
    tpu.vector_store %arg11[%swap3A_32], %swap3A_35 {strides = array<i32>} : memref<128xi32, #tpu.memory_space<vmem>>, vector<16xi32>,
    %add3A_36 = arith.constant 1 : i32
    %add3A_37 = vector.broadcast %add3A_36 : i32 to vector<16xi32>
    %add3A_38 = arith.addi %mul3A_31, %add3A_37 : vector<16xi32>
    %swap3A_39 = arith.constant 16 : index
    %swap3A_40 = tpu.vector_load %arg12[%swap3A_39] {strides = array<i32>} : memref<128xi32, #tpu.memory_space<vmem>>, vector<16xi32>,
    %swap3A_41 = vector.shape_cast %swap3A_40 : vector<16xi32> to vector<16xi32>
    %swap3A_42 = vector.shape_cast %add3A_38 : vector<16xi32> to vector<16xi32>
    tpu.vector_store %arg12[%swap3A_39], %swap3A_42 {strides = array<i32>} : memref<128xi32, #tpu.memory_space<vmem>>, vector<16xi32>,
    %add3A_43 = arith.constant 32 : i32
    %add3A_44 = arith.addi %mul3A_2, %add3A_43 : i32
    %add3A_45 = vector.broadcast %add3A_44 : i32 to vector<16xi32>
    %add3A_46 = arith.addi %add3A_45, %iota3A : vector<16xi32>
    %mul3A_47 = arith.constant 2 : i32
    %mul3A_48 = vector.broadcast %mul3A_47 : i32 to vector<16xi32>
    %mul3A_49 = arith.muli %mul3A_48, %add3A_46 : vector<16xi32>
    %swap3A_50 = arith.constant 32 : index
    %swap3A_51 = tpu.vector_load %arg11[%swap3A_50] {strides = array<i32>} : memref<128xi32, #tpu.memory_space<vmem>>, vector<16xi32>,
    %swap3A_52 = vector.shape_cast %swap3A_51 : vector<16xi32> to vector<16xi32>
    %swap3A_53 = vector.shape_cast %mul3A_49 : vector<16xi32> to vector<16xi32>
    tpu.vector_store %arg11[%swap3A_50], %swap3A_53 {strides = array<i32>} : memref<128xi32, #tpu.memory_space<vmem>>, vector<16xi32>,
    %add3A_54 = arith.constant 1 : i32
    %add3A_55 = vector.broadcast %add3A_54 : i32 to vector<16xi32>
    %add3A_56 = arith.addi %mul3A_49, %add3A_55 : vector<16xi32>
    %swap3A_57 = arith.constant 32 : index
    %swap3A_58 = tpu.vector_load %arg12[%swap3A_57] {strides = array<i32>} : memref<128xi32, #tpu.memory_space<vmem>>, vector<16xi32>,
    %swap3A_59 = vector.shape_cast %swap3A_58 : vector<16xi32> to vector<16xi32>
    %swap3A_60 = vector.shape_cast %add3A_56 : vector<16xi32> to vector<16xi32>
    tpu.vector_store %arg12[%swap3A_57], %swap3A_60 {strides = array<i32>} : memref<128xi32, #tpu.memory_space<vmem>>, vector<16xi32>,
    %add3A_61 = arith.constant 48 : i32
    %add3A_62 = arith.addi %mul3A_2, %add3A_61 : i32
    %add3A_63 = vector.broadcast %add3A_62 : i32 to vector<16xi32>
    %add3A_64 = arith.addi %add3A_63, %iota3A : vector<16xi32>
    %mul3A_65 = arith.constant 2 : i32
    %mul3A_66 = vector.broadcast %mul3A_65 : i32 to vector<16xi32>
    %mul3A_67 = arith.muli %mul3A_66, %add3A_64 : vector<16xi32>
    %swap3A_68 = arith.constant 48 : index
    %swap3A_69 = tpu.vector_load %arg11[%swap3A_68] {strides = array<i32>} : memref<128xi32, #tpu.memory_space<vmem>>, vector<16xi32>,
    %swap3A_70 = vector.shape_cast %swap3A_69 : vector<16xi32> to vector<16xi32>
    %swap3A_71 = vector.shape_cast %mul3A_67 : vector<16xi32> to vector<16xi32>
    tpu.vector_store %arg11[%swap3A_68], %swap3A_71 {strides = array<i32>} : memref<128xi32, #tpu.memory_space<vmem>>, vector<16xi32>,
    %add3A_72 = arith.constant 1 : i32
    %add3A_73 = vector.broadcast %add3A_72 : i32 to vector<16xi32>
    %add3A_74 = arith.addi %mul3A_67, %add3A_73 : vector<16xi32>
    %swap3A_75 = arith.constant 48 : index
    %swap3A_76 = tpu.vector_load %arg12[%swap3A_75] {strides = array<i32>} : memref<128xi32, #tpu.memory_space<vmem>>, vector<16xi32>,
    %swap3A_77 = vector.shape_cast %swap3A_76 : vector<16xi32> to vector<16xi32>
    %swap3A_78 = vector.shape_cast %add3A_74 : vector<16xi32> to vector<16xi32>
    tpu.vector_store %arg12[%swap3A_75], %swap3A_78 {strides = array<i32>} : memref<128xi32, #tpu.memory_space<vmem>>, vector<16xi32>,
    %add3A_79 = arith.constant 64 : i32
    %add3A_80 = arith.addi %mul3A_2, %add3A_79 : i32
    %add3A_81 = vector.broadcast %add3A_80 : i32 to vector<16xi32>
    %add3A_82 = arith.addi %add3A_81, %iota3A : vector<16xi32>
    %mul3A_83 = arith.constant 2 : i32
    %mul3A_84 = vector.broadcast %mul3A_83 : i32 to vector<16xi32>
    %mul3A_85 = arith.muli %mul3A_84, %add3A_82 : vector<16xi32>
    %swap3A_86 = arith.constant 64 : index
    %swap3A_87 = tpu.vector_load %arg11[%swap3A_86] {strides = array<i32>} : memref<128xi32, #tpu.memory_space<vmem>>, vector<16xi32>,
    %swap3A_88 = vector.shape_cast %swap3A_87 : vector<16xi32> to vector<16xi32>
    %swap3A_89 = vector.shape_cast %mul3A_85 : vector<16xi32> to vector<16xi32>
    tpu.vector_store %arg11[%swap3A_86], %swap3A_89 {strides = array<i32>} : memref<128xi32, #tpu.memory_space<vmem>>, vector<16xi32>,
    %add3A_90 = arith.constant 1 : i32
    %add3A_91 = vector.broadcast %add3A_90 : i32 to vector<16xi32>
    %add3A_92 = arith.addi %mul3A_85, %add3A_91 : vector<16xi32>
    %swap3A_93 = arith.constant 64 : index
    %swap3A_94 = tpu.vector_load %arg12[%swap3A_93] {strides = array<i32>} : memref<128xi32, #tpu.memory_space<vmem>>, vector<16xi32>,
    %swap3A_95 = vector.shape_cast %swap3A_94 : vector<16xi32> to vector<16xi32>
    %swap3A_96 = vector.shape_cast %add3A_92 : vector<16xi32> to vector<16xi32>
    tpu.vector_store %arg12[%swap3A_93], %swap3A_96 {strides = array<i32>} : memref<128xi32, #tpu.memory_space<vmem>>, vector<16xi32>,
    %add3A_97 = arith.constant 80 : i32
    %add3A_98 = arith.addi %mul3A_2, %add3A_97 : i32
    %add3A_99 = vector.broadcast %add3A_98 : i32 to vector<16xi32>
    %add3A_100 = arith.addi %add3A_99, %iota3A : vector<16xi32>
    %mul3A_101 = arith.constant 2 : i32
    %mul3A_102 = vector.broadcast %mul3A_101 : i32 to vector<16xi32>
    %mul3A_103 = arith.muli %mul3A_102, %add3A_100 : vector<16xi32>
    %swap3A_104 = arith.constant 80 : index
    %swap3A_105 = tpu.vector_load %arg11[%swap3A_104] {strides = array<i32>} : memref<128xi32, #tpu.memory_space<vmem>>, vector<16xi32>,
    %swap3A_106 = vector.shape_cast %swap3A_105 : vector<16xi32> to vector<16xi32>
    %swap3A_107 = vector.shape_cast %mul3A_103 : vector<16xi32> to vector<16xi32>
    tpu.vector_store %arg11[%swap3A_104], %swap3A_107 {strides = array<i32>} : memref<128xi32, #tpu.memory_space<vmem>>, vector<16xi32>,
    %add3A_108 = arith.constant 1 : i32
    %add3A_109 = vector.broadcast %add3A_108 : i32 to vector<16xi32>
    %add3A_110 = arith.addi %mul3A_103, %add3A_109 : vector<16xi32>
    %swap3A_111 = arith.constant 80 : index
    %swap3A_112 = tpu.vector_load %arg12[%swap3A_111] {strides = array<i32>} : memref<128xi32, #tpu.memory_space<vmem>>, vector<16xi32>,
    %swap3A_113 = vector.shape_cast %swap3A_112 : vector<16xi32> to vector<16xi32>
    %swap3A_114 = vector.shape_cast %add3A_110 : vector<16xi32> to vector<16xi32>
    tpu.vector_store %arg12[%swap3A_111], %swap3A_114 {strides = array<i32>} : memref<128xi32, #tpu.memory_space<vmem>>, vector<16xi32>,
    %add3A_115 = arith.constant 96 : i32
    %add3A_116 = arith.addi %mul3A_2, %add3A_115 : i32
    %add3A_117 = vector.broadcast %add3A_116 : i32 to vector<16xi32>
    %add3A_118 = arith.addi %add3A_117, %iota3A : vector<16xi32>
    %mul3A_119 = arith.constant 2 : i32
    %mul3A_120 = vector.broadcast %mul3A_119 : i32 to vector<16xi32>
    %mul3A_121 = arith.muli %mul3A_120, %add3A_118 : vector<16xi32>
    %swap3A_122 = arith.constant 96 : index
    %swap3A_123 = tpu.vector_load %arg11[%swap3A_122] {strides = array<i32>} : memref<128xi32, #tpu.memory_space<vmem>>, vector<16xi32>,
    %swap3A_124 = vector.shape_cast %swap3A_123 : vector<16xi32> to vector<16xi32>
    %swap3A_125 = vector.shape_cast %mul3A_121 : vector<16xi32> to vector<16xi32>
    tpu.vector_store %arg11[%swap3A_122], %swap3A_125 {strides = array<i32>} : memref<128xi32, #tpu.memory_space<vmem>>, vector<16xi32>,
    %add3A_126 = arith.constant 1 : i32
    %add3A_127 = vector.broadcast %add3A_126 : i32 to vector<16xi32>
    %add3A_128 = arith.addi %mul3A_121, %add3A_127 : vector<16xi32>
    %swap3A_129 = arith.constant 96 : index
    %swap3A_130 = tpu.vector_load %arg12[%swap3A_129] {strides = array<i32>} : memref<128xi32, #tpu.memory_space<vmem>>, vector<16xi32>,
    %swap3A_131 = vector.shape_cast %swap3A_130 : vector<16xi32> to vector<16xi32>
    %swap3A_132 = vector.shape_cast %add3A_128 : vector<16xi32> to vector<16xi32>
    tpu.vector_store %arg12[%swap3A_129], %swap3A_132 {strides = array<i32>} : memref<128xi32, #tpu.memory_space<vmem>>, vector<16xi32>,
    %add3A_133 = arith.constant 112 : i32
    %add3A_134 = arith.addi %mul3A_2, %add3A_133 : i32
    %add3A_135 = vector.broadcast %add3A_134 : i32 to vector<16xi32>
    %add3A_136 = arith.addi %add3A_135, %iota3A : vector<16xi32>
    %mul3A_137 = arith.constant 2 : i32
    %mul3A_138 = vector.broadcast %mul3A_137 : i32 to vector<16xi32>
    %mul3A_139 = arith.muli %mul3A_138, %add3A_136 : vector<16xi32>
    %swap3A_140 = arith.constant 112 : index
    %swap3A_141 = tpu.vector_load %arg11[%swap3A_140] {strides = array<i32>} : memref<128xi32, #tpu.memory_space<vmem>>, vector<16xi32>,
    %swap3A_142 = vector.shape_cast %swap3A_141 : vector<16xi32> to vector<16xi32>
    %swap3A_143 = vector.shape_cast %mul3A_139 : vector<16xi32> to vector<16xi32>
    tpu.vector_store %arg11[%swap3A_140], %swap3A_143 {strides = array<i32>} : memref<128xi32, #tpu.memory_space<vmem>>, vector<16xi32>,
    %add3A_144 = arith.constant 1 : i32
    %add3A_145 = vector.broadcast %add3A_144 : i32 to vector<16xi32>
    %add3A_146 = arith.addi %mul3A_139, %add3A_145 : vector<16xi32>
    %swap3A_147 = arith.constant 112 : index
    %swap3A_148 = tpu.vector_load %arg12[%swap3A_147] {strides = array<i32>} : memref<128xi32, #tpu.memory_space<vmem>>, vector<16xi32>,
    %swap3A_149 = vector.shape_cast %swap3A_148 : vector<16xi32> to vector<16xi32>
    %swap3A_150 = vector.shape_cast %add3A_146 : vector<16xi32> to vector<16xi32>
    tpu.vector_store %arg12[%swap3A_147], %swap3A_150 {strides = array<i32>} : memref<128xi32, #tpu.memory_space<vmem>>, vector<16xi32>,
    %get3A = arith.constant 0 : index
    %get3A_151 = tpu.vector_load %arg15[%get3A] {strides = array<i32>} : memref<128xf32, #tpu.memory_space<vmem>>, vector<16xf32>,
    %get3A_152 = vector.shape_cast %get3A_151 : vector<16xf32> to vector<16xf32>
    %get3A_153 = arith.constant 16 : index
    %get3A_154 = tpu.vector_load %arg15[%get3A_153] {strides = array<i32>} : memref<128xf32, #tpu.memory_space<vmem>>, vector<16xf32>,
    %get3A_155 = vector.shape_cast %get3A_154 : vector<16xf32> to vector<16xf32>
    %get3A_156 = arith.constant 32 : index
    %get3A_157 = tpu.vector_load %arg15[%get3A_156] {strides = array<i32>} : memref<128xf32, #tpu.memory_space<vmem>>, vector<16xf32>,
    %get3A_158 = vector.shape_cast %get3A_157 : vector<16xf32> to vector<16xf32>
    %get3A_159 = arith.constant 48 : index
    %get3A_160 = tpu.vector_load %arg15[%get3A_159] {strides = array<i32>} : memref<128xf32, #tpu.memory_space<vmem>>, vector<16xf32>,
    %get3A_161 = vector.shape_cast %get3A_160 : vector<16xf32> to vector<16xf32>
    %get3A_162 = arith.constant 64 : index
    %get3A_163 = tpu.vector_load %arg15[%get3A_162] {strides = array<i32>} : memref<128xf32, #tpu.memory_space<vmem>>, vector<16xf32>,
    %get3A_164 = vector.shape_cast %get3A_163 : vector<16xf32> to vector<16xf32>
    %get3A_165 = arith.constant 80 : index
    %get3A_166 = tpu.vector_load %arg15[%get3A_165] {strides = array<i32>} : memref<128xf32, #tpu.memory_space<vmem>>, vector<16xf32>,
    %get3A_167 = vector.shape_cast %get3A_166 : vector<16xf32> to vector<16xf32>
    %get3A_168 = arith.constant 96 : index
    %get3A_169 = tpu.vector_load %arg15[%get3A_168] {strides = array<i32>} : memref<128xf32, #tpu.memory_space<vmem>>, vector<16xf32>,
    %get3A_170 = vector.shape_cast %get3A_169 : vector<16xf32> to vector<16xf32>
    %get3A_171 = arith.constant 112 : index
    %get3A_172 = tpu.vector_load %arg15[%get3A_171] {strides = array<i32>} : memref<128xf32, #tpu.memory_space<vmem>>, vector<16xf32>,
    %get3A_173 = vector.shape_cast %get3A_172 : vector<16xf32> to vector<16xf32>
    %get3A_174 = arith.constant 0 : index
    %get3A_175 = tpu.vector_load %arg16[%get3A_174] {strides = array<i32>} : memref<128xf32, #tpu.memory_space<vmem>>, vector<16xf32>,
    %get3A_176 = vector.shape_cast %get3A_175 : vector<16xf32> to vector<16xf32>
    %get3A_177 = arith.constant 16 : index
    %get3A_178 = tpu.vector_load %arg16[%get3A_177] {strides = array<i32>} : memref<128xf32, #tpu.memory_space<vmem>>, vector<16xf32>,
    %get3A_179 = vector.shape_cast %get3A_178 : vector<16xf32> to vector<16xf32>
    %get3A_180 = arith.constant 32 : index
    %get3A_181 = tpu.vector_load %arg16[%get3A_180] {strides = array<i32>} : memref<128xf32, #tpu.memory_space<vmem>>, vector<16xf32>,
    %get3A_182 = vector.shape_cast %get3A_181 : vector<16xf32> to vector<16xf32>
    %get3A_183 = arith.constant 48 : index
    %get3A_184 = tpu.vector_load %arg16[%get3A_183] {strides = array<i32>} : memref<128xf32, #tpu.memory_space<vmem>>, vector<16xf32>,
    %get3A_185 = vector.shape_cast %get3A_184 : vector<16xf32> to vector<16xf32>
    %get3A_186 = arith.constant 64 : index
    %get3A_187 = tpu.vector_load %arg16[%get3A_186] {strides = array<i32>} : memref<128xf32, #tpu.memory_space<vmem>>, vector<16xf32>,
    %get3A_188 = vector.shape_cast %get3A_187 : vector<16xf32> to vector<16xf32>
    %get3A_189 = arith.constant 80 : index
    %get3A_190 = tpu.vector_load %arg16[%get3A_189] {strides = array<i32>} : memref<128xf32, #tpu.memory_space<vmem>>, vector<16xf32>,
    %get3A_191 = vector.shape_cast %get3A_190 : vector<16xf32> to vector<16xf32>
    %get3A_192 = arith.constant 96 : index
    %get3A_193 = tpu.vector_load %arg16[%get3A_192] {strides = array<i32>} : memref<128xf32, #tpu.memory_space<vmem>>, vector<16xf32>,
    %get3A_194 = vector.shape_cast %get3A_193 : vector<16xf32> to vector<16xf32>
    %get3A_195 = arith.constant 112 : index
    %get3A_196 = tpu.vector_load %arg16[%get3A_195] {strides = array<i32>} : memref<128xf32, #tpu.memory_space<vmem>>, vector<16xf32>,
    %get3A_197 = vector.shape_cast %get3A_196 : vector<16xf32> to vector<16xf32>
    %dma_wait3A = arith.constant 0 : i32
    %dma_wait3A_198 = arith.constant 0 : i32
    %dma_wait3A_199 = tpu.memref_slice %arg4[%dma_wait3A, %dma_wait3A_198] : memref<1000x128xf32, #tpu.memory_space<hbm>> -> memref<1000x128xf32, #tpu.memory_space<hbm>>
    tpu.wait_indirect_dma semaphore(%arg17 : memref<!tpu.dma_semaphore, #tpu.memory_space<semaphore_mem>>) src(%dma_wait3A_199 : memref<1000x128xf32, #tpu.memory_space<hbm>>) dst(%arg13 : memref<128x128xf32, #tpu.memory_space<vmem>>)
    %scan3A = arith.constant 0 : i32
    %scan3A_200 = arith.constant 0 : i32
    %scan3A_201 = arith.constant 128 : i32
    %scan3A_202 = arith.addi %scan3A_200, %scan3A_201 : i32
    %scan3A_203 = arith.constant 2 : i32
    scf.for %scan3A_226 = %scan3A_200 to %scan3A_202 step %scan3A_203  : i32 {
      %get3A_227 = arith.index_cast %scan3A_226 : i32 to index
      %get3A_228 = arith.constant 0 : index
      %get3A_229 = tpu.vector_load %arg13[%get3A_227, %get3A_228] {strides = array<i32>} : memref<128x128xf32, #tpu.memory_space<vmem>>, vector<1x16xf32>,
      %get3A_230 = vector.shape_cast %get3A_229 : vector<1x16xf32> to vector<16xf32>
      %add3A_231 = arith.addf %get3A_230, %get3A_152 : vector<16xf32>
      %swap3A_232 = arith.index_cast %scan3A_226 : i32 to index
      %swap3A_233 = arith.constant 0 : index
      %swap3A_234 = tpu.vector_load %arg13[%swap3A_232, %swap3A_233] {strides = array<i32>} : memref<128x128xf32, #tpu.memory_space<vmem>>, vector<1x16xf32>,
      %swap3A_235 = vector.shape_cast %swap3A_234 : vector<1x16xf32> to vector<16xf32>
      %swap3A_236 = vector.shape_cast %add3A_231 : vector<16xf32> to vector<1x16xf32>
      tpu.vector_store %arg13[%swap3A_232, %swap3A_233], %swap3A_236 {strides = array<i32>} : memref<128x128xf32, #tpu.memory_space<vmem>>, vector<1x16xf32>,
      %get3A_237 = arith.index_cast %scan3A_226 : i32 to index
      %get3A_238 = arith.constant 16 : index
      %get3A_239 = tpu.vector_load %arg13[%get3A_237, %get3A_238] {strides = array<i32>} : memref<128x128xf32, #tpu.memory_space<vmem>>, vector<1x16xf32>,
      %get3A_240 = vector.shape_cast %get3A_239 : vector<1x16xf32> to vector<16xf32>
      %add3A_241 = arith.addf %get3A_240, %get3A_155 : vector<16xf32>
      %swap3A_242 = arith.index_cast %scan3A_226 : i32 to index
      %swap3A_243 = arith.constant 16 : index
      %swap3A_244 = tpu.vector_load %arg13[%swap3A_242, %swap3A_243] {strides = array<i32>} : memref<128x128xf32, #tpu.memory_space<vmem>>, vector<1x16xf32>,
      %swap3A_245 = vector.shape_cast %swap3A_244 : vector<1x16xf32> to vector<16xf32>
      %swap3A_246 = vector.shape_cast %add3A_241 : vector<16xf32> to vector<1x16xf32>
      tpu.vector_store %arg13[%swap3A_242, %swap3A_243], %swap3A_246 {strides = array<i32>} : memref<128x128xf32, #tpu.memory_space<vmem>>, vector<1x16xf32>,
      %get3A_247 = arith.index_cast %scan3A_226 : i32 to index
      %get3A_248 = arith.constant 32 : index
      %get3A_249 = tpu.vector_load %arg13[%get3A_247, %get3A_248] {strides = array<i32>} : memref<128x128xf32, #tpu.memory_space<vmem>>, vector<1x16xf32>,
      %get3A_250 = vector.shape_cast %get3A_249 : vector<1x16xf32> to vector<16xf32>
      %add3A_251 = arith.addf %get3A_250, %get3A_158 : vector<16xf32>
      %swap3A_252 = arith.index_cast %scan3A_226 : i32 to index
      %swap3A_253 = arith.constant 32 : index
      %swap3A_254 = tpu.vector_load %arg13[%swap3A_252, %swap3A_253] {strides = array<i32>} : memref<128x128xf32, #tpu.memory_space<vmem>>, vector<1x16xf32>,
      %swap3A_255 = vector.shape_cast %swap3A_254 : vector<1x16xf32> to vector<16xf32>
      %swap3A_256 = vector.shape_cast %add3A_251 : vector<16xf32> to vector<1x16xf32>
      tpu.vector_store %arg13[%swap3A_252, %swap3A_253], %swap3A_256 {strides = array<i32>} : memref<128x128xf32, #tpu.memory_space<vmem>>, vector<1x16xf32>,
      %get3A_257 = arith.index_cast %scan3A_226 : i32 to index
      %get3A_258 = arith.constant 48 : index
      %get3A_259 = tpu.vector_load %arg13[%get3A_257, %get3A_258] {strides = array<i32>} : memref<128x128xf32, #tpu.memory_space<vmem>>, vector<1x16xf32>,
      %get3A_260 = vector.shape_cast %get3A_259 : vector<1x16xf32> to vector<16xf32>
      %add3A_261 = arith.addf %get3A_260, %get3A_161 : vector<16xf32>
      %swap3A_262 = arith.index_cast %scan3A_226 : i32 to index
      %swap3A_263 = arith.constant 48 : index
      %swap3A_264 = tpu.vector_load %arg13[%swap3A_262, %swap3A_263] {strides = array<i32>} : memref<128x128xf32, #tpu.memory_space<vmem>>, vector<1x16xf32>,
      %swap3A_265 = vector.shape_cast %swap3A_264 : vector<1x16xf32> to vector<16xf32>
      %swap3A_266 = vector.shape_cast %add3A_261 : vector<16xf32> to vector<1x16xf32>
      tpu.vector_store %arg13[%swap3A_262, %swap3A_263], %swap3A_266 {strides = array<i32>} : memref<128x128xf32, #tpu.memory_space<vmem>>, vector<1x16xf32>,
      %get3A_267 = arith.index_cast %scan3A_226 : i32 to index
      %get3A_268 = arith.constant 64 : index
      %get3A_269 = tpu.vector_load %arg13[%get3A_267, %get3A_268] {strides = array<i32>} : memref<128x128xf32, #tpu.memory_space<vmem>>, vector<1x16xf32>,
      %get3A_270 = vector.shape_cast %get3A_269 : vector<1x16xf32> to vector<16xf32>
      %add3A_271 = arith.addf %get3A_270, %get3A_164 : vector<16xf32>
      %swap3A_272 = arith.index_cast %scan3A_226 : i32 to index
      %swap3A_273 = arith.constant 64 : index
      %swap3A_274 = tpu.vector_load %arg13[%swap3A_272, %swap3A_273] {strides = array<i32>} : memref<128x128xf32, #tpu.memory_space<vmem>>, vector<1x16xf32>,
      %swap3A_275 = vector.shape_cast %swap3A_274 : vector<1x16xf32> to vector<16xf32>
      %swap3A_276 = vector.shape_cast %add3A_271 : vector<16xf32> to vector<1x16xf32>
      tpu.vector_store %arg13[%swap3A_272, %swap3A_273], %swap3A_276 {strides = array<i32>} : memref<128x128xf32, #tpu.memory_space<vmem>>, vector<1x16xf32>,
      %get3A_277 = arith.index_cast %scan3A_226 : i32 to index
      %get3A_278 = arith.constant 80 : index
      %get3A_279 = tpu.vector_load %arg13[%get3A_277, %get3A_278] {strides = array<i32>} : memref<128x128xf32, #tpu.memory_space<vmem>>, vector<1x16xf32>,
      %get3A_280 = vector.shape_cast %get3A_279 : vector<1x16xf32> to vector<16xf32>
      %add3A_281 = arith.addf %get3A_280, %get3A_167 : vector<16xf32>
      %swap3A_282 = arith.index_cast %scan3A_226 : i32 to index
      %swap3A_283 = arith.constant 80 : index
      %swap3A_284 = tpu.vector_load %arg13[%swap3A_282, %swap3A_283] {strides = array<i32>} : memref<128x128xf32, #tpu.memory_space<vmem>>, vector<1x16xf32>,
      %swap3A_285 = vector.shape_cast %swap3A_284 : vector<1x16xf32> to vector<16xf32>
      %swap3A_286 = vector.shape_cast %add3A_281 : vector<16xf32> to vector<1x16xf32>
      tpu.vector_store %arg13[%swap3A_282, %swap3A_283], %swap3A_286 {strides = array<i32>} : memref<128x128xf32, #tpu.memory_space<vmem>>, vector<1x16xf32>,
      %get3A_287 = arith.index_cast %scan3A_226 : i32 to index
      %get3A_288 = arith.constant 96 : index
      %get3A_289 = tpu.vector_load %arg13[%get3A_287, %get3A_288] {strides = array<i32>} : memref<128x128xf32, #tpu.memory_space<vmem>>, vector<1x16xf32>,
      %get3A_290 = vector.shape_cast %get3A_289 : vector<1x16xf32> to vector<16xf32>
      %add3A_291 = arith.addf %get3A_290, %get3A_170 : vector<16xf32>
      %swap3A_292 = arith.index_cast %scan3A_226 : i32 to index
      %swap3A_293 = arith.constant 96 : index
      %swap3A_294 = tpu.vector_load %arg13[%swap3A_292, %swap3A_293] {strides = array<i32>} : memref<128x128xf32, #tpu.memory_space<vmem>>, vector<1x16xf32>,
      %swap3A_295 = vector.shape_cast %swap3A_294 : vector<1x16xf32> to vector<16xf32>
      %swap3A_296 = vector.shape_cast %add3A_291 : vector<16xf32> to vector<1x16xf32>
      tpu.vector_store %arg13[%swap3A_292, %swap3A_293], %swap3A_296 {strides = array<i32>} : memref<128x128xf32, #tpu.memory_space<vmem>>, vector<1x16xf32>,
      %get3A_297 = arith.index_cast %scan3A_226 : i32 to index
      %get3A_298 = arith.constant 112 : index
      %get3A_299 = tpu.vector_load %arg13[%get3A_297, %get3A_298] {strides = array<i32>} : memref<128x128xf32, #tpu.memory_space<vmem>>, vector<1x16xf32>,
      %get3A_300 = vector.shape_cast %get3A_299 : vector<1x16xf32> to vector<16xf32>
      %add3A_301 = arith.addf %get3A_300, %get3A_173 : vector<16xf32>
      %swap3A_302 = arith.index_cast %scan3A_226 : i32 to index
      %swap3A_303 = arith.constant 112 : index
      %swap3A_304 = tpu.vector_load %arg13[%swap3A_302, %swap3A_303] {strides = array<i32>} : memref<128x128xf32, #tpu.memory_space<vmem>>, vector<1x16xf32>,
      %swap3A_305 = vector.shape_cast %swap3A_304 : vector<1x16xf32> to vector<16xf32>
      %swap3A_306 = vector.shape_cast %add3A_301 : vector<16xf32> to vector<1x16xf32>
      tpu.vector_store %arg13[%swap3A_302, %swap3A_303], %swap3A_306 {strides = array<i32>} : memref<128x128xf32, #tpu.memory_space<vmem>>, vector<1x16xf32>,
      %scan3A_307 = arith.constant 1 : i32
      %scan3A_308 = arith.addi %scan3A_226, %scan3A_307 : i32
      %get3A_309 = arith.index_cast %scan3A_308 : i32 to index
      %get3A_310 = arith.constant 0 : index
      %get3A_311 = tpu.vector_load %arg13[%get3A_309, %get3A_310] {strides = array<i32>} : memref<128x128xf32, #tpu.memory_space<vmem>>, vector<1x16xf32>,
      %get3A_312 = vector.shape_cast %get3A_311 : vector<1x16xf32> to vector<16xf32>
      %add3A_313 = arith.addf %get3A_312, %get3A_152 : vector<16xf32>
      %swap3A_314 = arith.index_cast %scan3A_308 : i32 to index
      %swap3A_315 = arith.constant 0 : index
      %swap3A_316 = tpu.vector_load %arg13[%swap3A_314, %swap3A_315] {strides = array<i32>} : memref<128x128xf32, #tpu.memory_space<vmem>>, vector<1x16xf32>,
      %swap3A_317 = vector.shape_cast %swap3A_316 : vector<1x16xf32> to vector<16xf32>
      %swap3A_318 = vector.shape_cast %add3A_313 : vector<16xf32> to vector<1x16xf32>
      tpu.vector_store %arg13[%swap3A_314, %swap3A_315], %swap3A_318 {strides = array<i32>} : memref<128x128xf32, #tpu.memory_space<vmem>>, vector<1x16xf32>,
      %get3A_319 = arith.index_cast %scan3A_308 : i32 to index
      %get3A_320 = arith.constant 16 : index
      %get3A_321 = tpu.vector_load %arg13[%get3A_319, %get3A_320] {strides = array<i32>} : memref<128x128xf32, #tpu.memory_space<vmem>>, vector<1x16xf32>,
      %get3A_322 = vector.shape_cast %get3A_321 : vector<1x16xf32> to vector<16xf32>
      %add3A_323 = arith.addf %get3A_322, %get3A_155 : vector<16xf32>
      %swap3A_324 = arith.index_cast %scan3A_308 : i32 to index
      %swap3A_325 = arith.constant 16 : index
      %swap3A_326 = tpu.vector_load %arg13[%swap3A_324, %swap3A_325] {strides = array<i32>} : memref<128x128xf32, #tpu.memory_space<vmem>>, vector<1x16xf32>,
      %swap3A_327 = vector.shape_cast %swap3A_326 : vector<1x16xf32> to vector<16xf32>
      %swap3A_328 = vector.shape_cast %add3A_323 : vector<16xf32> to vector<1x16xf32>
      tpu.vector_store %arg13[%swap3A_324, %swap3A_325], %swap3A_328 {strides = array<i32>} : memref<128x128xf32, #tpu.memory_space<vmem>>, vector<1x16xf32>,
      %get3A_329 = arith.index_cast %scan3A_308 : i32 to index
      %get3A_330 = arith.constant 32 : index
      %get3A_331 = tpu.vector_load %arg13[%get3A_329, %get3A_330] {strides = array<i32>} : memref<128x128xf32, #tpu.memory_space<vmem>>, vector<1x16xf32>,
      %get3A_332 = vector.shape_cast %get3A_331 : vector<1x16xf32> to vector<16xf32>
      %add3A_333 = arith.addf %get3A_332, %get3A_158 : vector<16xf32>
      %swap3A_334 = arith.index_cast %scan3A_308 : i32 to index
      %swap3A_335 = arith.constant 32 : index
      %swap3A_336 = tpu.vector_load %arg13[%swap3A_334, %swap3A_335] {strides = array<i32>} : memref<128x128xf32, #tpu.memory_space<vmem>>, vector<1x16xf32>,
      %swap3A_337 = vector.shape_cast %swap3A_336 : vector<1x16xf32> to vector<16xf32>
      %swap3A_338 = vector.shape_cast %add3A_333 : vector<16xf32> to vector<1x16xf32>
      tpu.vector_store %arg13[%swap3A_334, %swap3A_335], %swap3A_338 {strides = array<i32>} : memref<128x128xf32, #tpu.memory_space<vmem>>, vector<1x16xf32>,
      %get3A_339 = arith.index_cast %scan3A_308 : i32 to index
      %get3A_340 = arith.constant 48 : index
      %get3A_341 = tpu.vector_load %arg13[%get3A_339, %get3A_340] {strides = array<i32>} : memref<128x128xf32, #tpu.memory_space<vmem>>, vector<1x16xf32>,
      %get3A_342 = vector.shape_cast %get3A_341 : vector<1x16xf32> to vector<16xf32>
      %add3A_343 = arith.addf %get3A_342, %get3A_161 : vector<16xf32>
      %swap3A_344 = arith.index_cast %scan3A_308 : i32 to index
      %swap3A_345 = arith.constant 48 : index
      %swap3A_346 = tpu.vector_load %arg13[%swap3A_344, %swap3A_345] {strides = array<i32>} : memref<128x128xf32, #tpu.memory_space<vmem>>, vector<1x16xf32>,
      %swap3A_347 = vector.shape_cast %swap3A_346 : vector<1x16xf32> to vector<16xf32>
      %swap3A_348 = vector.shape_cast %add3A_343 : vector<16xf32> to vector<1x16xf32>
      tpu.vector_store %arg13[%swap3A_344, %swap3A_345], %swap3A_348 {strides = array<i32>} : memref<128x128xf32, #tpu.memory_space<vmem>>, vector<1x16xf32>,
      %get3A_349 = arith.index_cast %scan3A_308 : i32 to index
      %get3A_350 = arith.constant 64 : index
      %get3A_351 = tpu.vector_load %arg13[%get3A_349, %get3A_350] {strides = array<i32>} : memref<128x128xf32, #tpu.memory_space<vmem>>, vector<1x16xf32>,
      %get3A_352 = vector.shape_cast %get3A_351 : vector<1x16xf32> to vector<16xf32>
      %add3A_353 = arith.addf %get3A_352, %get3A_164 : vector<16xf32>
      %swap3A_354 = arith.index_cast %scan3A_308 : i32 to index
      %swap3A_355 = arith.constant 64 : index
      %swap3A_356 = tpu.vector_load %arg13[%swap3A_354, %swap3A_355] {strides = array<i32>} : memref<128x128xf32, #tpu.memory_space<vmem>>, vector<1x16xf32>,
      %swap3A_357 = vector.shape_cast %swap3A_356 : vector<1x16xf32> to vector<16xf32>
      %swap3A_358 = vector.shape_cast %add3A_353 : vector<16xf32> to vector<1x16xf32>
      tpu.vector_store %arg13[%swap3A_354, %swap3A_355], %swap3A_358 {strides = array<i32>} : memref<128x128xf32, #tpu.memory_space<vmem>>, vector<1x16xf32>,
      %get3A_359 = arith.index_cast %scan3A_308 : i32 to index
      %get3A_360 = arith.constant 80 : index
      %get3A_361 = tpu.vector_load %arg13[%get3A_359, %get3A_360] {strides = array<i32>} : memref<128x128xf32, #tpu.memory_space<vmem>>, vector<1x16xf32>,
      %get3A_362 = vector.shape_cast %get3A_361 : vector<1x16xf32> to vector<16xf32>
      %add3A_363 = arith.addf %get3A_362, %get3A_167 : vector<16xf32>
      %swap3A_364 = arith.index_cast %scan3A_308 : i32 to index
      %swap3A_365 = arith.constant 80 : index
      %swap3A_366 = tpu.vector_load %arg13[%swap3A_364, %swap3A_365] {strides = array<i32>} : memref<128x128xf32, #tpu.memory_space<vmem>>, vector<1x16xf32>,
      %swap3A_367 = vector.shape_cast %swap3A_366 : vector<1x16xf32> to vector<16xf32>
      %swap3A_368 = vector.shape_cast %add3A_363 : vector<16xf32> to vector<1x16xf32>
      tpu.vector_store %arg13[%swap3A_364, %swap3A_365], %swap3A_368 {strides = array<i32>} : memref<128x128xf32, #tpu.memory_space<vmem>>, vector<1x16xf32>,
      %get3A_369 = arith.index_cast %scan3A_308 : i32 to index
      %get3A_370 = arith.constant 96 : index
      %get3A_371 = tpu.vector_load %arg13[%get3A_369, %get3A_370] {strides = array<i32>} : memref<128x128xf32, #tpu.memory_space<vmem>>, vector<1x16xf32>,
      %get3A_372 = vector.shape_cast %get3A_371 : vector<1x16xf32> to vector<16xf32>
      %add3A_373 = arith.addf %get3A_372, %get3A_170 : vector<16xf32>
      %swap3A_374 = arith.index_cast %scan3A_308 : i32 to index
      %swap3A_375 = arith.constant 96 : index
      %swap3A_376 = tpu.vector_load %arg13[%swap3A_374, %swap3A_375] {strides = array<i32>} : memref<128x128xf32, #tpu.memory_space<vmem>>, vector<1x16xf32>,
      %swap3A_377 = vector.shape_cast %swap3A_376 : vector<1x16xf32> to vector<16xf32>
      %swap3A_378 = vector.shape_cast %add3A_373 : vector<16xf32> to vector<1x16xf32>
      tpu.vector_store %arg13[%swap3A_374, %swap3A_375], %swap3A_378 {strides = array<i32>} : memref<128x128xf32, #tpu.memory_space<vmem>>, vector<1x16xf32>,
      %get3A_379 = arith.index_cast %scan3A_308 : i32 to index
      %get3A_380 = arith.constant 112 : index
      %get3A_381 = tpu.vector_load %arg13[%get3A_379, %get3A_380] {strides = array<i32>} : memref<128x128xf32, #tpu.memory_space<vmem>>, vector<1x16xf32>,
      %get3A_382 = vector.shape_cast %get3A_381 : vector<1x16xf32> to vector<16xf32>
      %add3A_383 = arith.addf %get3A_382, %get3A_173 : vector<16xf32>
      %swap3A_384 = arith.index_cast %scan3A_308 : i32 to index
      %swap3A_385 = arith.constant 112 : index
      %swap3A_386 = tpu.vector_load %arg13[%swap3A_384, %swap3A_385] {strides = array<i32>} : memref<128x128xf32, #tpu.memory_space<vmem>>, vector<1x16xf32>,
      %swap3A_387 = vector.shape_cast %swap3A_386 : vector<1x16xf32> to vector<16xf32>
      %swap3A_388 = vector.shape_cast %add3A_383 : vector<16xf32> to vector<1x16xf32>
      tpu.vector_store %arg13[%swap3A_384, %swap3A_385], %swap3A_388 {strides = array<i32>} : memref<128x128xf32, #tpu.memory_space<vmem>>, vector<1x16xf32>,
    }
    %scan3A_204 = arith.constant 128 : i32
    %dma_start3A_205 = arith.constant 0 : i32
    %dma_start3A_206 = arith.constant 0 : i32
    %dma_start3A_207 = tpu.memref_slice %arg8[%dma_start3A_205, %dma_start3A_206] : memref<8192x128xf32, #tpu.memory_space<hbm>> -> memref<8192x128xf32, #tpu.memory_space<hbm>>
    tpu.enqueue_indirect_dma source(%arg13 : memref<128x128xf32, #tpu.memory_space<vmem>>) target(%dma_start3A_207 : memref<8192x128xf32, #tpu.memory_space<hbm>>) offsets(%arg11 : memref<128xi32, #tpu.memory_space<vmem>>) semaphore(%arg19 : memref<!tpu.dma_semaphore, #tpu.memory_space<semaphore_mem>>)
    %dma_wait3A_208 = arith.constant 0 : i32
    %dma_wait3A_209 = arith.constant 0 : i32
    %dma_wait3A_210 = tpu.memref_slice %arg5[%dma_wait3A_208, %dma_wait3A_209] : memref<1000x128xf32, #tpu.memory_space<hbm>> -> memref<1000x128xf32, #tpu.memory_space<hbm>>
    tpu.wait_indirect_dma semaphore(%arg18 : memref<!tpu.dma_semaphore, #tpu.memory_space<semaphore_mem>>) src(%dma_wait3A_210 : memref<1000x128xf32, #tpu.memory_space<hbm>>) dst(%arg14 : memref<128x128xf32, #tpu.memory_space<vmem>>)
    %scan3A_211 = arith.constant 0 : i32
    %scan3A_212 = arith.constant 0 : i32
    %scan3A_213 = arith.constant 128 : i32
    %scan3A_214 = arith.addi %scan3A_212, %scan3A_213 : i32
    %scan3A_215 = arith.constant 2 : i32
    scf.for %scan3A_226 = %scan3A_212 to %scan3A_214 step %scan3A_215  : i32 {
      %get3A_227 = arith.index_cast %scan3A_226 : i32 to index
      %get3A_228 = arith.constant 0 : index
      %get3A_229 = tpu.vector_load %arg14[%get3A_227, %get3A_228] {strides = array<i32>} : memref<128x128xf32, #tpu.memory_space<vmem>>, vector<1x16xf32>,
      %get3A_230 = vector.shape_cast %get3A_229 : vector<1x16xf32> to vector<16xf32>
      %add3A_231 = arith.addf %get3A_230, %get3A_176 : vector<16xf32>
      %swap3A_232 = arith.index_cast %scan3A_226 : i32 to index
      %swap3A_233 = arith.constant 0 : index
      %swap3A_234 = tpu.vector_load %arg14[%swap3A_232, %swap3A_233] {strides = array<i32>} : memref<128x128xf32, #tpu.memory_space<vmem>>, vector<1x16xf32>,
      %swap3A_235 = vector.shape_cast %swap3A_234 : vector<1x16xf32> to vector<16xf32>
      %swap3A_236 = vector.shape_cast %add3A_231 : vector<16xf32> to vector<1x16xf32>
      tpu.vector_store %arg14[%swap3A_232, %swap3A_233], %swap3A_236 {strides = array<i32>} : memref<128x128xf32, #tpu.memory_space<vmem>>, vector<1x16xf32>,
      %get3A_237 = arith.index_cast %scan3A_226 : i32 to index
      %get3A_238 = arith.constant 16 : index
      %get3A_239 = tpu.vector_load %arg14[%get3A_237, %get3A_238] {strides = array<i32>} : memref<128x128xf32, #tpu.memory_space<vmem>>, vector<1x16xf32>,
      %get3A_240 = vector.shape_cast %get3A_239 : vector<1x16xf32> to vector<16xf32>
      %add3A_241 = arith.addf %get3A_240, %get3A_179 : vector<16xf32>
      %swap3A_242 = arith.index_cast %scan3A_226 : i32 to index
      %swap3A_243 = arith.constant 16 : index
      %swap3A_244 = tpu.vector_load %arg14[%swap3A_242, %swap3A_243] {strides = array<i32>} : memref<128x128xf32, #tpu.memory_space<vmem>>, vector<1x16xf32>,
      %swap3A_245 = vector.shape_cast %swap3A_244 : vector<1x16xf32> to vector<16xf32>
      %swap3A_246 = vector.shape_cast %add3A_241 : vector<16xf32> to vector<1x16xf32>
      tpu.vector_store %arg14[%swap3A_242, %swap3A_243], %swap3A_246 {strides = array<i32>} : memref<128x128xf32, #tpu.memory_space<vmem>>, vector<1x16xf32>,
      %get3A_247 = arith.index_cast %scan3A_226 : i32 to index
      %get3A_248 = arith.constant 32 : index
      %get3A_249 = tpu.vector_load %arg14[%get3A_247, %get3A_248] {strides = array<i32>} : memref<128x128xf32, #tpu.memory_space<vmem>>, vector<1x16xf32>,
      %get3A_250 = vector.shape_cast %get3A_249 : vector<1x16xf32> to vector<16xf32>
      %add3A_251 = arith.addf %get3A_250, %get3A_182 : vector<16xf32>
      %swap3A_252 = arith.index_cast %scan3A_226 : i32 to index
      %swap3A_253 = arith.constant 32 : index
      %swap3A_254 = tpu.vector_load %arg14[%swap3A_252, %swap3A_253] {strides = array<i32>} : memref<128x128xf32, #tpu.memory_space<vmem>>, vector<1x16xf32>,
      %swap3A_255 = vector.shape_cast %swap3A_254 : vector<1x16xf32> to vector<16xf32>
      %swap3A_256 = vector.shape_cast %add3A_251 : vector<16xf32> to vector<1x16xf32>
      tpu.vector_store %arg14[%swap3A_252, %swap3A_253], %swap3A_256 {strides = array<i32>} : memref<128x128xf32, #tpu.memory_space<vmem>>, vector<1x16xf32>,
      %get3A_257 = arith.index_cast %scan3A_226 : i32 to index
      %get3A_258 = arith.constant 48 : index
      %get3A_259 = tpu.vector_load %arg14[%get3A_257, %get3A_258] {strides = array<i32>} : memref<128x128xf32, #tpu.memory_space<vmem>>, vector<1x16xf32>,
      %get3A_260 = vector.shape_cast %get3A_259 : vector<1x16xf32> to vector<16xf32>
      %add3A_261 = arith.addf %get3A_260, %get3A_185 : vector<16xf32>
      %swap3A_262 = arith.index_cast %scan3A_226 : i32 to index
      %swap3A_263 = arith.constant 48 : index
      %swap3A_264 = tpu.vector_load %arg14[%swap3A_262, %swap3A_263] {strides = array<i32>} : memref<128x128xf32, #tpu.memory_space<vmem>>, vector<1x16xf32>,
      %swap3A_265 = vector.shape_cast %swap3A_264 : vector<1x16xf32> to vector<16xf32>
      %swap3A_266 = vector.shape_cast %add3A_261 : vector<16xf32> to vector<1x16xf32>
      tpu.vector_store %arg14[%swap3A_262, %swap3A_263], %swap3A_266 {strides = array<i32>} : memref<128x128xf32, #tpu.memory_space<vmem>>, vector<1x16xf32>,
      %get3A_267 = arith.index_cast %scan3A_226 : i32 to index
      %get3A_268 = arith.constant 64 : index
      %get3A_269 = tpu.vector_load %arg14[%get3A_267, %get3A_268] {strides = array<i32>} : memref<128x128xf32, #tpu.memory_space<vmem>>, vector<1x16xf32>,
      %get3A_270 = vector.shape_cast %get3A_269 : vector<1x16xf32> to vector<16xf32>
      %add3A_271 = arith.addf %get3A_270, %get3A_188 : vector<16xf32>
      %swap3A_272 = arith.index_cast %scan3A_226 : i32 to index
      %swap3A_273 = arith.constant 64 : index
      %swap3A_274 = tpu.vector_load %arg14[%swap3A_272, %swap3A_273] {strides = array<i32>} : memref<128x128xf32, #tpu.memory_space<vmem>>, vector<1x16xf32>,
      %swap3A_275 = vector.shape_cast %swap3A_274 : vector<1x16xf32> to vector<16xf32>
      %swap3A_276 = vector.shape_cast %add3A_271 : vector<16xf32> to vector<1x16xf32>
      tpu.vector_store %arg14[%swap3A_272, %swap3A_273], %swap3A_276 {strides = array<i32>} : memref<128x128xf32, #tpu.memory_space<vmem>>, vector<1x16xf32>,
      %get3A_277 = arith.index_cast %scan3A_226 : i32 to index
      %get3A_278 = arith.constant 80 : index
      %get3A_279 = tpu.vector_load %arg14[%get3A_277, %get3A_278] {strides = array<i32>} : memref<128x128xf32, #tpu.memory_space<vmem>>, vector<1x16xf32>,
      %get3A_280 = vector.shape_cast %get3A_279 : vector<1x16xf32> to vector<16xf32>
      %add3A_281 = arith.addf %get3A_280, %get3A_191 : vector<16xf32>
      %swap3A_282 = arith.index_cast %scan3A_226 : i32 to index
      %swap3A_283 = arith.constant 80 : index
      %swap3A_284 = tpu.vector_load %arg14[%swap3A_282, %swap3A_283] {strides = array<i32>} : memref<128x128xf32, #tpu.memory_space<vmem>>, vector<1x16xf32>,
      %swap3A_285 = vector.shape_cast %swap3A_284 : vector<1x16xf32> to vector<16xf32>
      %swap3A_286 = vector.shape_cast %add3A_281 : vector<16xf32> to vector<1x16xf32>
      tpu.vector_store %arg14[%swap3A_282, %swap3A_283], %swap3A_286 {strides = array<i32>} : memref<128x128xf32, #tpu.memory_space<vmem>>, vector<1x16xf32>,
      %get3A_287 = arith.index_cast %scan3A_226 : i32 to index
      %get3A_288 = arith.constant 96 : index
      %get3A_289 = tpu.vector_load %arg14[%get3A_287, %get3A_288] {strides = array<i32>} : memref<128x128xf32, #tpu.memory_space<vmem>>, vector<1x16xf32>,
      %get3A_290 = vector.shape_cast %get3A_289 : vector<1x16xf32> to vector<16xf32>
      %add3A_291 = arith.addf %get3A_290, %get3A_194 : vector<16xf32>
      %swap3A_292 = arith.index_cast %scan3A_226 : i32 to index
      %swap3A_293 = arith.constant 96 : index
      %swap3A_294 = tpu.vector_load %arg14[%swap3A_292, %swap3A_293] {strides = array<i32>} : memref<128x128xf32, #tpu.memory_space<vmem>>, vector<1x16xf32>,
      %swap3A_295 = vector.shape_cast %swap3A_294 : vector<1x16xf32> to vector<16xf32>
      %swap3A_296 = vector.shape_cast %add3A_291 : vector<16xf32> to vector<1x16xf32>
      tpu.vector_store %arg14[%swap3A_292, %swap3A_293], %swap3A_296 {strides = array<i32>} : memref<128x128xf32, #tpu.memory_space<vmem>>, vector<1x16xf32>,
      %get3A_297 = arith.index_cast %scan3A_226 : i32 to index
      %get3A_298 = arith.constant 112 : index
      %get3A_299 = tpu.vector_load %arg14[%get3A_297, %get3A_298] {strides = array<i32>} : memref<128x128xf32, #tpu.memory_space<vmem>>, vector<1x16xf32>,
      %get3A_300 = vector.shape_cast %get3A_299 : vector<1x16xf32> to vector<16xf32>
      %add3A_301 = arith.addf %get3A_300, %get3A_197 : vector<16xf32>
      %swap3A_302 = arith.index_cast %scan3A_226 : i32 to index
      %swap3A_303 = arith.constant 112 : index
      %swap3A_304 = tpu.vector_load %arg14[%swap3A_302, %swap3A_303] {strides = array<i32>} : memref<128x128xf32, #tpu.memory_space<vmem>>, vector<1x16xf32>,
      %swap3A_305 = vector.shape_cast %swap3A_304 : vector<1x16xf32> to vector<16xf32>
      %swap3A_306 = vector.shape_cast %add3A_301 : vector<16xf32> to vector<1x16xf32>
      tpu.vector_store %arg14[%swap3A_302, %swap3A_303], %swap3A_306 {strides = array<i32>} : memref<128x128xf32, #tpu.memory_space<vmem>>, vector<1x16xf32>,
      %scan3A_307 = arith.constant 1 : i32
      %scan3A_308 = arith.addi %scan3A_226, %scan3A_307 : i32
      %get3A_309 = arith.index_cast %scan3A_308 : i32 to index
      %get3A_310 = arith.constant 0 : index
      %get3A_311 = tpu.vector_load %arg14[%get3A_309, %get3A_310] {strides = array<i32>} : memref<128x128xf32, #tpu.memory_space<vmem>>, vector<1x16xf32>,
      %get3A_312 = vector.shape_cast %get3A_311 : vector<1x16xf32> to vector<16xf32>
      %add3A_313 = arith.addf %get3A_312, %get3A_176 : vector<16xf32>
      %swap3A_314 = arith.index_cast %scan3A_308 : i32 to index
      %swap3A_315 = arith.constant 0 : index
      %swap3A_316 = tpu.vector_load %arg14[%swap3A_314, %swap3A_315] {strides = array<i32>} : memref<128x128xf32, #tpu.memory_space<vmem>>, vector<1x16xf32>,
      %swap3A_317 = vector.shape_cast %swap3A_316 : vector<1x16xf32> to vector<16xf32>
      %swap3A_318 = vector.shape_cast %add3A_313 : vector<16xf32> to vector<1x16xf32>
      tpu.vector_store %arg14[%swap3A_314, %swap3A_315], %swap3A_318 {strides = array<i32>} : memref<128x128xf32, #tpu.memory_space<vmem>>, vector<1x16xf32>,
      %get3A_319 = arith.index_cast %scan3A_308 : i32 to index
      %get3A_320 = arith.constant 16 : index
      %get3A_321 = tpu.vector_load %arg14[%get3A_319, %get3A_320] {strides = array<i32>} : memref<128x128xf32, #tpu.memory_space<vmem>>, vector<1x16xf32>,
      %get3A_322 = vector.shape_cast %get3A_321 : vector<1x16xf32> to vector<16xf32>
      %add3A_323 = arith.addf %get3A_322, %get3A_179 : vector<16xf32>
      %swap3A_324 = arith.index_cast %scan3A_308 : i32 to index
      %swap3A_325 = arith.constant 16 : index
      %swap3A_326 = tpu.vector_load %arg14[%swap3A_324, %swap3A_325] {strides = array<i32>} : memref<128x128xf32, #tpu.memory_space<vmem>>, vector<1x16xf32>,
      %swap3A_327 = vector.shape_cast %swap3A_326 : vector<1x16xf32> to vector<16xf32>
      %swap3A_328 = vector.shape_cast %add3A_323 : vector<16xf32> to vector<1x16xf32>
      tpu.vector_store %arg14[%swap3A_324, %swap3A_325], %swap3A_328 {strides = array<i32>} : memref<128x128xf32, #tpu.memory_space<vmem>>, vector<1x16xf32>,
      %get3A_329 = arith.index_cast %scan3A_308 : i32 to index
      %get3A_330 = arith.constant 32 : index
      %get3A_331 = tpu.vector_load %arg14[%get3A_329, %get3A_330] {strides = array<i32>} : memref<128x128xf32, #tpu.memory_space<vmem>>, vector<1x16xf32>,
      %get3A_332 = vector.shape_cast %get3A_331 : vector<1x16xf32> to vector<16xf32>
      %add3A_333 = arith.addf %get3A_332, %get3A_182 : vector<16xf32>
      %swap3A_334 = arith.index_cast %scan3A_308 : i32 to index
      %swap3A_335 = arith.constant 32 : index
      %swap3A_336 = tpu.vector_load %arg14[%swap3A_334, %swap3A_335] {strides = array<i32>} : memref<128x128xf32, #tpu.memory_space<vmem>>, vector<1x16xf32>,
      %swap3A_337 = vector.shape_cast %swap3A_336 : vector<1x16xf32> to vector<16xf32>
      %swap3A_338 = vector.shape_cast %add3A_333 : vector<16xf32> to vector<1x16xf32>
      tpu.vector_store %arg14[%swap3A_334, %swap3A_335], %swap3A_338 {strides = array<i32>} : memref<128x128xf32, #tpu.memory_space<vmem>>, vector<1x16xf32>,
      %get3A_339 = arith.index_cast %scan3A_308 : i32 to index
      %get3A_340 = arith.constant 48 : index
      %get3A_341 = tpu.vector_load %arg14[%get3A_339, %get3A_340] {strides = array<i32>} : memref<128x128xf32, #tpu.memory_space<vmem>>, vector<1x16xf32>,
      %get3A_342 = vector.shape_cast %get3A_341 : vector<1x16xf32> to vector<16xf32>
      %add3A_343 = arith.addf %get3A_342, %get3A_185 : vector<16xf32>
      %swap3A_344 = arith.index_cast %scan3A_308 : i32 to index
      %swap3A_345 = arith.constant 48 : index
      %swap3A_346 = tpu.vector_load %arg14[%swap3A_344, %swap3A_345] {strides = array<i32>} : memref<128x128xf32, #tpu.memory_space<vmem>>, vector<1x16xf32>,
      %swap3A_347 = vector.shape_cast %swap3A_346 : vector<1x16xf32> to vector<16xf32>
      %swap3A_348 = vector.shape_cast %add3A_343 : vector<16xf32> to vector<1x16xf32>
      tpu.vector_store %arg14[%swap3A_344, %swap3A_345], %swap3A_348 {strides = array<i32>} : memref<128x128xf32, #tpu.memory_space<vmem>>, vector<1x16xf32>,
      %get3A_349 = arith.index_cast %scan3A_308 : i32 to index
      %get3A_350 = arith.constant 64 : index
      %get3A_351 = tpu.vector_load %arg14[%get3A_349, %get3A_350] {strides = array<i32>} : memref<128x128xf32, #tpu.memory_space<vmem>>, vector<1x16xf32>,
      %get3A_352 = vector.shape_cast %get3A_351 : vector<1x16xf32> to vector<16xf32>
      %add3A_353 = arith.addf %get3A_352, %get3A_188 : vector<16xf32>
      %swap3A_354 = arith.index_cast %scan3A_308 : i32 to index
      %swap3A_355 = arith.constant 64 : index
      %swap3A_356 = tpu.vector_load %arg14[%swap3A_354, %swap3A_355] {strides = array<i32>} : memref<128x128xf32, #tpu.memory_space<vmem>>, vector<1x16xf32>,
      %swap3A_357 = vector.shape_cast %swap3A_356 : vector<1x16xf32> to vector<16xf32>
      %swap3A_358 = vector.shape_cast %add3A_353 : vector<16xf32> to vector<1x16xf32>
      tpu.vector_store %arg14[%swap3A_354, %swap3A_355], %swap3A_358 {strides = array<i32>} : memref<128x128xf32, #tpu.memory_space<vmem>>, vector<1x16xf32>,
      %get3A_359 = arith.index_cast %scan3A_308 : i32 to index
      %get3A_360 = arith.constant 80 : index
      %get3A_361 = tpu.vector_load %arg14[%get3A_359, %get3A_360] {strides = array<i32>} : memref<128x128xf32, #tpu.memory_space<vmem>>, vector<1x16xf32>,
      %get3A_362 = vector.shape_cast %get3A_361 : vector<1x16xf32> to vector<16xf32>
      %add3A_363 = arith.addf %get3A_362, %get3A_191 : vector<16xf32>
      %swap3A_364 = arith.index_cast %scan3A_308 : i32 to index
      %swap3A_365 = arith.constant 80 : index
      %swap3A_366 = tpu.vector_load %arg14[%swap3A_364, %swap3A_365] {strides = array<i32>} : memref<128x128xf32, #tpu.memory_space<vmem>>, vector<1x16xf32>,
      %swap3A_367 = vector.shape_cast %swap3A_366 : vector<1x16xf32> to vector<16xf32>
      %swap3A_368 = vector.shape_cast %add3A_363 : vector<16xf32> to vector<1x16xf32>
      tpu.vector_store %arg14[%swap3A_364, %swap3A_365], %swap3A_368 {strides = array<i32>} : memref<128x128xf32, #tpu.memory_space<vmem>>, vector<1x16xf32>,
      %get3A_369 = arith.index_cast %scan3A_308 : i32 to index
      %get3A_370 = arith.constant 96 : index
      %get3A_371 = tpu.vector_load %arg14[%get3A_369, %get3A_370] {strides = array<i32>} : memref<128x128xf32, #tpu.memory_space<vmem>>, vector<1x16xf32>,
      %get3A_372 = vector.shape_cast %get3A_371 : vector<1x16xf32> to vector<16xf32>
      %add3A_373 = arith.addf %get3A_372, %get3A_194 : vector<16xf32>
      %swap3A_374 = arith.index_cast %scan3A_308 : i32 to index
      %swap3A_375 = arith.constant 96 : index
      %swap3A_376 = tpu.vector_load %arg14[%swap3A_374, %swap3A_375] {strides = array<i32>} : memref<128x128xf32, #tpu.memory_space<vmem>>, vector<1x16xf32>,
      %swap3A_377 = vector.shape_cast %swap3A_376 : vector<1x16xf32> to vector<16xf32>
      %swap3A_378 = vector.shape_cast %add3A_373 : vector<16xf32> to vector<1x16xf32>
      tpu.vector_store %arg14[%swap3A_374, %swap3A_375], %swap3A_378 {strides = array<i32>} : memref<128x128xf32, #tpu.memory_space<vmem>>, vector<1x16xf32>,
      %get3A_379 = arith.index_cast %scan3A_308 : i32 to index
      %get3A_380 = arith.constant 112 : index
      %get3A_381 = tpu.vector_load %arg14[%get3A_379, %get3A_380] {strides = array<i32>} : memref<128x128xf32, #tpu.memory_space<vmem>>, vector<1x16xf32>,
      %get3A_382 = vector.shape_cast %get3A_381 : vector<1x16xf32> to vector<16xf32>
      %add3A_383 = arith.addf %get3A_382, %get3A_197 : vector<16xf32>
      %swap3A_384 = arith.index_cast %scan3A_308 : i32 to index
      %swap3A_385 = arith.constant 112 : index
      %swap3A_386 = tpu.vector_load %arg14[%swap3A_384, %swap3A_385] {strides = array<i32>} : memref<128x128xf32, #tpu.memory_space<vmem>>, vector<1x16xf32>,
      %swap3A_387 = vector.shape_cast %swap3A_386 : vector<1x16xf32> to vector<16xf32>
      %swap3A_388 = vector.shape_cast %add3A_383 : vector<16xf32> to vector<1x16xf32>
      tpu.vector_store %arg14[%swap3A_384, %swap3A_385], %swap3A_388 {strides = array<i32>} : memref<128x128xf32, #tpu.memory_space<vmem>>, vector<1x16xf32>,
    }
    %scan3A_216 = arith.constant 128 : i32
    %dma_start3A_217 = arith.constant 0 : i32
    %dma_start3A_218 = arith.constant 0 : i32
    %dma_start3A_219 = tpu.memref_slice %arg8[%dma_start3A_217, %dma_start3A_218] : memref<8192x128xf32, #tpu.memory_space<hbm>> -> memref<8192x128xf32, #tpu.memory_space<hbm>>
    tpu.enqueue_indirect_dma source(%arg14 : memref<128x128xf32, #tpu.memory_space<vmem>>) target(%dma_start3A_219 : memref<8192x128xf32, #tpu.memory_space<hbm>>) offsets(%arg12 : memref<128xi32, #tpu.memory_space<vmem>>) semaphore(%arg20 : memref<!tpu.dma_semaphore, #tpu.memory_space<semaphore_mem>>)
    %dma_wait3A_220 = arith.constant 0 : i32
    %dma_wait3A_221 = arith.constant 0 : i32
    %dma_wait3A_222 = tpu.memref_slice %arg8[%dma_wait3A_220, %dma_wait3A_221] : memref<8192x128xf32, #tpu.memory_space<hbm>> -> memref<8192x128xf32, #tpu.memory_space<hbm>>
    tpu.wait_indirect_dma semaphore(%arg19 : memref<!tpu.dma_semaphore, #tpu.memory_space<semaphore_mem>>) src(%arg13 : memref<128x128xf32, #tpu.memory_space<vmem>>) dst(%dma_wait3A_222 : memref<8192x128xf32, #tpu.memory_space<hbm>>)
    %dma_wait3A_223 = arith.constant 0 : i32
    %dma_wait3A_224 = arith.constant 0 : i32
    %dma_wait3A_225 = tpu.memref_slice %arg8[%dma_wait3A_223, %dma_wait3A_224] : memref<8192x128xf32, #tpu.memory_space<hbm>> -> memref<8192x128xf32, #tpu.memory_space<hbm>>
    tpu.wait_indirect_dma semaphore(%arg20 : memref<!tpu.dma_semaphore, #tpu.memory_space<semaphore_mem>>) src(%arg14 : memref<128x128xf32, #tpu.memory_space<vmem>>) dst(%dma_wait3A_225 : memref<8192x128xf32, #tpu.memory_space<hbm>>)
    return
  }
}

</mosaic_0001>

<sc_bundles>
// kernel: kernel.3.cloned.1.call-start
scs
__scs_entry_jumppad:
0x0: {  	(pc) =	sbr.rel $0x88, $3  }
0x1: {  	(tag) =	ssettag $0x0;
	lr =	simm.s32 $0x1  }
0x2: {  	[smem:$0x3F9B] =	sst lr;
	_ =	strace $0xD0000000  }
0x3: {  	_ = 	snop  }
0x4: {  	_ = 	snop  }
0x5: {  	_ = 	snop  }
0x6: {  	_ = 	snop  }
0x7: {  	_ = 	snop  }
__scs_overlays_trampoline_lowered:
0x8: {  	[smem:$0x3FAA] =	sst s0  }
0x9: {  	[smem:$0x3FAB] =	sst s1  }
0xa: {  	[smem:$0x3FAC] =	sst s2  }
0xb: {  	[smem:$0x3FAD] =	sst s3  }
0xc: {  	[smem:$0x3FAE] =	sst s4  }
0xd: {  	[smem:$0x3FAF] =	sst s5  }
0xe: {  	[smem:$0x3FB0] =	sst s6  }
0xf: {  	[smem:$0x3FB1] =	sst s7  }
0x10: {  	[smem:$0x3FB2] =	sst s8  }
0x11: {  	[smem:$0x3FB3] =	sst s9;
	s0 =	simm.s32 @!p0 $0x0  }
0x12: {  	s1 =	sld [smem:$0x3F99];
	s0 =	simm.s32 @p0 $0x1  }
0x13: {  	[smem:$0x3FB4] =	sst s0;
	s0 =	simm.s32 @!p1 $0x0  }
0x14: {  	s2 =	sld [smem:$0x3F98];
	s0 =	simm.s32 @p1 $0x1  }
0x15: {  	[smem:$0x3FB5] =	sst s0;
	s0 =	simm.s32 @!p2 $0x0  }
0x16: {  	s3 =	sld [smem:$0x3FDB];
	s0 =	simm.s32 @p2 $0x1  }
0x17: {  	s4 =	simm.s32 $0x1BF5;
	[smem:$0x3FB7] =	sst s0  }
0x18: {  	s0 =	sld [smem:$0x3F9A];
	_ =	swait.ge [sflag:s4], $0x0  }
0x19: {  	s7 =	sld [smem:$0x3F9B]  }
0x1a: {  	s8 =	sadd.s32 $0xFFFFE003, lr  }
0x1b: {  	s9 =	sadd.s32 $0xFFFFFEF7, lr;
	s5 =	simm.s32 $0xFFFFFFFF;
	p2 =	slt.u32 s8, $0xFFFFF086  }
0x1c: {  	p1 =	slt.u32 s9, $0xF7A;
	s5 =	simm.s32 @!p2 $0x0  }
0x1d: {  	s5 =	simm.s32 @p1 $0x1;
	p0 =	seq.s32 s7, s2  }
0x1e: {  	s7 =	smul.u32 @!p0 $0xF7A, s2;
	p2 =	seq.s32 @!p0 s5, $0x0  }
0x1f: {  	s9 =	smul.u32 $0xF7A, s1;
	s8 =	simm.s32 @!p0 $0x1BF5;
	p2 =	por !p2, p0  }
0x20: {  	[sflag:s8] =	ssyncset.s32 @!p0 $0xFFFFF086;
	s6 =	sadd.s32 @!p0 s3, s7;
	s7 =	simm.s32 @!p0 $0x108  }
0x21: {  	s3 =	sadd.s32 s3, s9;
	s6 =	sadd.s32 @!p0 $0x88, s6;
	s7 =	simm.s32 @p2 $0x1082  }
0x22: {  	[simem:s7], [sflag:s8] =	dma.local @!p0 [hbm:s6], $0xF7A  }
0x23: {  	s9 =	sor.u32 $0xD0000000, s2;
	s6 =	simm.s32 $0x108;
	_ =	swait.ge @!p0 [sflag:s8], $0x0  }
0x24: {  	s3 =	sadd.s32 $0x88, s3;
	s6 =	simm.s32 @!p1 $0x1082;
	[sflag:s4] =	ssyncset.s32 $0xFFFFF086  }
0x25: {  	[simem:s6], [sflag:s4] =	dma.local [hbm:s3], $0xF7A  }
0x26: {  	[smem:$0x3F9B] =	sst s1;
	(tag) =	ssettag s2;
	_ =	strace s9  }
0x27: {  	s1 =	sld [smem:$0x3FAB]  }
0x28: {  	s2 =	sld [smem:$0x3FAC]  }
0x29: {  	s4 =	sld [smem:$0x3FAE]  }
0x2a: {  	p0 =	seq.s32 s5, $0x0;
	s5 =	sld [smem:$0x3FAF]  }
0x2b: {  	s6 =	sld [smem:$0x3FB0]  }
0x2c: {  	s7 =	sld [smem:$0x3FB1]  }
0x2d: {  	s3 =	simm.s32 $0x108;
	s8 =	sld [smem:$0x3FB2]  }
0x2e: {  	s3 =	simm.s32 @!p0 $0x1082;
	s9 =	sld [smem:$0x3FB3]  }
0x2f: {  	lr =	sadd.s32 s0, s3;
	s0 =	sld [smem:$0x3FAA]  }
0x30: {  	s3 =	sld [smem:$0x3FAD]  }
0x31: {  	[smem:$0x3FB6] =	sst s10  }
0x32: {  	s10 =	sld [smem:$0x3FB4];
	_ =	sdelay $0x3  }
0x33: {  	p0 =	seq.s32 s10, $0x1;
	s10 =	sld [smem:$0x3FB6];
	_ =	sdelay $0x3  }
0x34: {  	[smem:$0x3FB6] =	sst s10  }
0x35: {  	s10 =	sld [smem:$0x3FB5];
	_ =	sdelay $0x3  }
0x36: {  	p1 =	seq.s32 s10, $0x1;
	s10 =	sld [smem:$0x3FB6];
	_ =	sdelay $0x3  }
0x37: {  	[smem:$0x3FB6] =	sst s10  }
0x38: {  	s10 =	sld [smem:$0x3FB7]  }
0x39: {  	_ = 	snop;
	(pc) =	sbr.ind lr, $3  }
0x3a: {  	_ = 	snop  }
0x3b: {  	_ = 	snop  }
0x3c: {  	p2 =	seq.s32 s10, $0x1;
	s10 =	sld [smem:$0x3FB6]  }
0x3d: {  	_ =	shalt  }
0x3e: {  	_ =	shalt  }
0x3f: {  	_ =	shalt  }
0x40: {  	_ =	shalt  }
0x41: {  	_ =	shalt  }
0x42: {  	_ =	shalt  }
0x43: {  	_ =	shalt  }
0x44: {  	_ =	shalt  }
0x45: {  	_ =	shalt  }
0x46: {  	_ =	shalt  }
0x47: {  	_ =	shalt  }
0x48: {  	_ =	shalt  }
0x49: {  	_ =	shalt  }
0x4a: {  	_ =	shalt  }
0x4b: {  	_ =	shalt  }
0x4c: {  	_ =	shalt  }
0x4d: {  	_ =	shalt  }
0x4e: {  	_ =	shalt  }
0x4f: {  	_ =	shalt  }
0x50: {  	_ =	shalt  }
0x51: {  	_ =	shalt  }
0x52: {  	_ =	shalt  }
0x53: {  	_ =	shalt  }
0x54: {  	_ =	shalt  }
0x55: {  	_ =	shalt  }
0x56: {  	_ =	shalt  }
0x57: {  	_ =	shalt  }
0x58: {  	_ =	shalt  }
0x59: {  	_ =	shalt  }
0x5a: {  	_ =	shalt  }
0x5b: {  	_ =	shalt  }
0x5c: {  	_ =	shalt  }
0x5d: {  	_ =	shalt  }
0x5e: {  	_ =	shalt  }
0x5f: {  	_ =	shalt  }
0x60: {  	_ =	shalt  }
0x61: {  	_ =	shalt  }
0x62: {  	_ =	shalt  }
0x63: {  	_ =	shalt  }
0x64: {  	_ =	shalt  }
0x65: {  	_ =	shalt  }
0x66: {  	_ =	shalt  }
0x67: {  	_ =	shalt  }
0x68: {  	_ =	shalt  }
0x69: {  	_ =	shalt  }
0x6a: {  	_ =	shalt  }
0x6b: {  	_ =	shalt  }
0x6c: {  	_ =	shalt  }
0x6d: {  	_ =	shalt  }
0x6e: {  	_ =	shalt  }
0x6f: {  	_ =	shalt  }
0x70: {  	_ =	shalt  }
0x71: {  	_ =	shalt  }
0x72: {  	_ =	shalt  }
0x73: {  	_ =	shalt  }
0x74: {  	_ =	shalt  }
0x75: {  	_ =	shalt  }
0x76: {  	_ =	shalt  }
0x77: {  	_ =	shalt  }
0x78: {  	_ =	shalt  }
0x79: {  	_ =	shalt  }
0x7a: {  	_ =	shalt  }
0x7b: {  	_ =	shalt  }
0x7c: {  	_ =	shalt  }
0x7d: {  	_ =	shalt  }
0x7e: {  	_ =	shalt  }
0x7f: {  	_ =	shalt  }
0x80: {  	_ =	shalt  }
0x81: {  	_ =	shalt  }
0x82: {  	_ =	shalt  }
0x83: {  	_ =	shalt  }
0x84: {  	_ =	shalt  }
0x85: {  	_ =	shalt  }
0x86: {  	_ =	shalt  }
0x87: {  	_ =	shalt  }
.Lfunc_end0:
.L_simem_size_0:
called_computation_lowered:
.L_overlay_start_0:
0x88: {  	s2 =	sld [smem:$0x3FD9]  }
0x89: {  	s3 =	sld [smem:$0x3FFE];
	_ =	sdelay $0x1  }
0x8a: {  	s1 =	srdreg.scid  }
0x8b: {  	s0 =	sand.u32 $0x1, s1  }
0x8c: {  	s18 =	sshll.u32 s0, $0xA;
	s2 =	sadd.s32 s3, s2  }
0x8d: {  	s2 =	sadd.s32 s2, s18  }
0x8e: {  	[smem:$0x3FC2] =	sst s2  }
0x8f: {  	_ = 	snop  }
0x90: {  	s2 =	sld [smem:$0x3FC9]  }
0x91: {  	s19 =	sld [smem:$0x3FC8]  }
0x92: {  	s4 =	sld [smem:$0x3FC7]  }
0x93: {  	s5 =	sld [smem:$0x3FC6]  }
0x94: {  	s6 =	sld [smem:$0x3FC5]  }
0x95: {  	s7 =	sld [smem:$0x3FC4]  }
0x96: {  	s8 =	sld [smem:$0x3FD0];
	(tm) =	ssettm $0x1  }
0x97: {  	s9 =	sld [smem:$0x3FFB];
	_ =	sdelay $0x3  }
0x98: {  	_ =	strace s9  }
0x99: {  	s9 =	sld [smem:$0x3FFC];
	_ =	sdelay $0x3  }
0x9a: {  	_ =	strace s9  }
0x9b: {  	s9 =	sld [smem:$0x3FFD];
	_ =	sdelay $0x3  }
0x9c: {  	_ =	strace s9  }
0x9d: {  	_ =	strace $0x8FFFFFFF  }
0x9e: {  	s20 =	sld [smem:$0x3FDB];
	_ =	sdelay $0x1  }
0x9f: {  	s10 =	simm.s32 $_scs_section_size  }
0xa0: {  	s11 =	simm.s32 $_size__tile_overlayer_lowered;
	s12 =	simm.s32 $_tile_overlayer_lowered  }
0xa1: {  	s23 =	simm.s32 $0x1BFF;
	s22 =	sshll.u32 s12, $0x1;
	s9 =	sadd.s32 s10, s20  }
0xa2: {  	s13 =	simm.s32 $0x0;
	s21 =	sshll.u32 s11, $0x1;
	s11 =	sadd.s32 s22, s9  }
0xa3: {  	[timem:s13], [sflag:s23] =	dma.local [hbm:s11], s21  }
0xa4: {  	_ =	swait.ge [sflag:s23], s21  }
0xa5: {  	s10 =	ssub.s32 $0x0, s21;
	[sflag:s23] =	ssyncset.done $0x0  }
0xa6: {  	[sflag:s23] =	ssyncadd.s32 s10;
	_ =	sdelay $0x1  }
0xa7: {  	s24 =	simm.s32 $0x1B8B  }
0xa8: {  	_ =	swait.ge [sflag:s24], $0x1  }
0xa9: {  	[sflag:s24] =	ssyncset.done $0x0  }
0xaa: {  	s25 =	simm.s32 $0x1B8E;
	[sflag:s24] =	ssyncadd.s32 $0xFFFFFFFF  }
0xab: {  	s26 =	simm.s32 $execute0_lowered;
	[smem:$0x3FD2] =	sst s25  }
0xac: {  	s10 =	sshll.u32 s26, $0x1;
	_ =	strace $0x80000046;
	[dreg:$0x1] =	wrdreg $0xFFFFFFFF  }
0xad: {  	s28 =	simm.s32 $_size_execute0_lowered;
	s9 =	sadd.s32 s9, s10;
	[dreg:$0x0] =	wrdreg $0x0  }
0xae: {  	s10 =	sshll.u32 s28, $0x1;
	[dreg:$0x2] =	wrdreg s9  }
0xaf: {  	[dreg:$0x3] =	wrdreg s10  }
0xb0: {  	[dreg:$0x4] =	wrdreg $0xC0  }
0xb1: {  	_ =	task [dreg:s13], $0x5FFFF  }
0xb2: {  	[dreg:$0x1] =	wrdreg $0xFFFFFFFF  }
0xb3: {  	[dreg:$0x0] =	wrdreg $0x60  }
0xb4: {  	[dreg:$0x2] =	wrdreg s2  }
0xb5: {  	[dreg:$0x3] =	wrdreg s19  }
0xb6: {  	[dreg:$0x4] =	wrdreg s4  }
0xb7: {  	[dreg:$0x5] =	wrdreg s5  }
0xb8: {  	[dreg:$0x6] =	wrdreg s6  }
0xb9: {  	[dreg:$0x7] =	wrdreg s7  }
0xba: {  	[dreg:$0x8] =	wrdreg s8  }
0xbb: {  	[dreg:$0x9] =	wrdreg $0x9  }
0xbc: {  	_ =	task.clear_ibuf [dreg:s13], $0xAFFFF;
	_ =	strace $0x90000046  }
0xbd: {  	s29 =	simm.s32 $0x9;
	_ =	strace $0x80000048  }
0xbe: {  	_ =	swait.ge [sflag:s29], $0x1  }
0xbf: {  	[sflag:s29] =	ssyncadd.s32 $0xFFFFFFFF  }
0xc0: {  	_ =	strace $0x90000048  }
0xc1: {  	_ =	sfence  }
0xc2: {  	s30 =	sld [smem:$0x0];
	_ =	sdelay $0x2  }
0xc3: {  	s31 =	sshll.u32 s1, $0xD;
	s1 =	sshrl.u32 s1, $0x2  }
0xc4: {  	s3 =	sand.u32 $0x4000, s31;
	s1 =	sadd.s32 s1, s30  }
0xc5: {  	s0 =	sor.u32 s3, s0;
	s1 =	sshll.u32 s1, $0x11  }
0xc6: {  	s0 =	sor.u32 s1, s0  }
0xc7: {  	s0 =	sadd.s32 $0x8F2B, s0  }
0xc8: {  	[sflag:s0] =	ssyncadd.remote.s32 $0x1  }
0xc9: {  	_ =	sfence.sel $0xFFFF  }
0xca: {  	[dreg:$0x0] =	wrdreg $0xFFFFFFFF;
	(pc) =	sbr.abs _section_cstart, $3  }
0xcb: {  	[dreg:$0x1] =	wrdreg $0xFFFFFFFF  }
0xcc: {  	_ =	task.clear_ibuf [dreg:s13], $0x2FFFF;
	_ =	strace $0x9FFFFFFF  }
0xcd: {  	(tm) =	ssettm $0x7FFFFFFF  }
tec
execute0_lowered:
.L_overlay_start_1:
0x0: {  	(tag) =	ssettag $0x1  }
0x1: {  	s1 =	srdreg.scid  }
0x2: {  	s8 =	rddreg [dreg:$0x0];
	s0 =	stileid.u32;
	s10 =	sand.u32 $0x1, s1  }
0x3: {  	s9 =	rddreg [dreg:$0x1];
	s3 =	sshll.u32 s0, $0x8;
	s4 =	sshll.u32 s10, $0x7  }
0x4: {  	s2 =	rddreg [dreg:$0x3];
	s11 =	sor.u32 s4, s3  }
0x5: {  	v0 =	vlaneseq.u32;
	s6 =	rddreg [dreg:$0x6];
	s5 =	sor.u32 $0x10, s11  }
0x6: {  	s7 =	simm.s32 $0x0;
	v12 =	vmul.u32 $0x2, v0;
	v1 =	vmov s11;
	s12 =	sor.u32 $0x20, s11;
	s13 =	sor.u32 $0x30, s11;
	v0 =	vmov s5  }
0x7: {  	s14 =	sor.u32 $0x40, s11;
	s29 =	sor.u32 $0x50, s11;
	s30 =	sor.u32 $0x60, s11;
	v1 =	vshll.u32 v1, $0x1;
	v4 =	vmov s12;
	v5 =	vmov s13  }
0x8: {  	s17 =	simm.s32 $0x1;
	s18 =	simm.s32 $0x100;
	s31 =	sor.u32 $0x70, s11;
	v6 =	vmov s14;
	v10 =	vmov s29;
	v11 =	vmov s30  }
0x9: {  	s19 =	simm.s32 $0x2;
	s20 =	simm.s32 $0x180;
	s1 =	rddreg [dreg:$0x2];
	v13 =	vmov s31;
	v2 =	vshll.u32 v0, $0x1;
	v0 =	vor.u32 v12, v1  }
0xa: {  	s21 =	simm.s32 $0x3;
	s22 =	simm.s32 $0x4;
	[smem:$0x7FF] =	sst s7;
	v4 =	vshll.u32 v4, $0x1;
	v5 =	vshll.u32 v5, $0x1;
	v6 =	vshll.u32 v6, $0x1  }
0xb: {  	s23 =	simm.s32 $0x0;
	s10 =	ssub.s32 $0x2, s10;
	s3 =	rddreg [dreg:$0x4];
	v10 =	vshll.u32 v10, $0x1;
	v11 =	vshll.u32 v11, $0x1;
	v13 =	vshll.u32 v13, $0x1  }
0xc: {  	s4 =	rddreg [dreg:$0x5];
	s15 =	sshrl.u32 s10, $0x1;
	s16 =	sshrl.u32 s11, $0x3;
	v1 =	vor.u32 v12, v2;
	v2 =	vor.u32 $0x1, v0;
	v4 =	vor.u32 v12, v4  }
0xd: {  	s10 =	ssub.s32 s10, s15;
	s11 =	simm.s32 $0x5;
	s15 =	simm.s32 $0x200;
	v5 =	vor.u32 v12, v5;
	v6 =	vor.u32 v12, v6;
	v10 =	vor.u32 v12, v10  }
0xe: {  	s5 =	rddreg [dreg:$0x7];
	_ =	strace $0x80000047;
	s8 =	sadd.s32 s8, s16;
	v11 =	vor.u32 v12, v11;
	v12 =	vor.u32 v12, v13;
	v3 =	vor.u32 $0x1, v1  }
0xf: {  	s9 =	sadd.s32 s9, s16;
	s10 =	smax.u32 s10, $0x1;
	s12 =	simm.s32 $0x80;
	v7 =	vor.u32 $0x1, v4;
	v8 =	vor.u32 $0x1, v5;
	v9 =	vor.u32 $0x1, v6  }
0x10: {  	s13 =	simm.s32 $0x8200;
	s14 =	simm.s32 $0x8280;
	s16 =	simm.s32 $0x4200;
	v13 =	vor.u32 $0x1, v10;
	v14 =	vor.u32 $0x1, v11;
	v15 =	vor.u32 $0x1, v12  }
.LBB2_1:
0x11: {  	[tilespmem:s7], [sflag:$0x5] =	stream.linear.gather [hbm4b:s8+s7], $0x80, $0x38;
	[tilespmem:$0x8300] =	vst v63  }
0x12: {  	_ =	swait.ge [sflag:s11], $0x80  }
0x13: {  	[sflag:s11] =	ssyncset.done $0x0  }
0x14: {  	[sflag:s11] =	ssyncadd.s32 $0xFFFFFF80  }
0x15: {  	[tilespmem:s12], [sflag:$0x5] =	stream.linear.gather [hbm4b:s9+s7], $0x80, $0x38;
	[tilespmem:$0x8300] =	vst v63  }
0x16: {  	_ =	swait.ge [sflag:s11], $0x80  }
0x17: {  	[sflag:s11] =	ssyncset.done $0x0  }
0x18: {  	[sflag:s11] =	ssyncadd.s32 $0xFFFFFF80  }
0x19: {  	[tilespmem:s13], [sflag:$0x5] =	stream.linear.gather [hbm4b:s3+s7], $0x80, $0x38;
	[tilespmem:$0x8300] =	vst v63  }
0x1a: {  	_ =	swait.ge [sflag:s11], $0x80  }
0x1b: {  	[sflag:s11] =	ssyncset.done $0x0  }
0x1c: {  	[sflag:s11] =	ssyncadd.s32 $0xFFFFFF80  }
0x1d: {  	[tilespmem:s14], [sflag:$0x5] =	stream.linear.gather [hbm4b:s4+s7], $0x80, $0x38;
	[tilespmem:$0x8300] =	vst v63  }
0x1e: {  	_ =	swait.ge [sflag:s11], $0x80  }
0x1f: {  	[sflag:s11] =	ssyncset.done $0x0  }
0x20: {  	[sflag:s11] =	ssyncadd.s32 $0xFFFFFF80  }
0x21: {  	[tilespmem:s15], [sflag:$0x1] =	stream.indirect.gather [hbm4b:s1+s12], $0x80, s7, s12, $0xb8;
	[tilespmem:$0x8300] =	vst v63  }
0x22: {  	_ = 	snop  }
0x23: {  	[tilespmem:s16], [sflag:$0x2] =	stream.indirect.gather [hbm4b:s2+s12], $0x80, s12, s12, $0xb8;
	[tilespmem:$0x8300] =	vst v63  }
0x24: {  	[tilespmem:$0x100] =	vst v0  }
0x25: {  	v24 =	vld [tilespmem:$0x8200];
	[tilespmem:$0x180] =	vst v2  }
0x26: {  	v25 =	vld [tilespmem:$0x8210];
	[tilespmem:$0x110] =	vst v1  }
0x27: {  	v26 =	vld [tilespmem:$0x8220];
	[tilespmem:$0x190] =	vst v3  }
0x28: {  	v31 =	vld [tilespmem:$0x8230];
	[tilespmem:$0x120] =	vst v4  }
0x29: {  	v28 =	vld [tilespmem:$0x8240];
	[tilespmem:$0x1A0] =	vst v7  }
0x2a: {  	v29 =	vld [tilespmem:$0x8250];
	[tilespmem:$0x130] =	vst v5  }
0x2b: {  	v30 =	vld [tilespmem:$0x8260];
	[tilespmem:$0x1B0] =	vst v8  }
0x2c: {  	v27 =	vld [tilespmem:$0x8270];
	[tilespmem:$0x140] =	vst v6  }
0x2d: {  	v16 =	vld [tilespmem:$0x8280];
	[tilespmem:$0x1C0] =	vst v9  }
0x2e: {  	v17 =	vld [tilespmem:$0x8290];
	[tilespmem:$0x150] =	vst v10  }
0x2f: {  	v18 =	vld [tilespmem:$0x82A0];
	[tilespmem:$0x1D0] =	vst v13  }
0x30: {  	v23 =	vld [tilespmem:$0x82B0];
	[tilespmem:$0x160] =	vst v11  }
0x31: {  	v20 =	vld [tilespmem:$0x82C0];
	[tilespmem:$0x1E0] =	vst v14  }
0x32: {  	v21 =	vld [tilespmem:$0x82D0];
	[tilespmem:$0x170] =	vst v12  }
0x33: {  	v22 =	vld [tilespmem:$0x82E0];
	[tilespmem:$0x1F0] =	vst v15  }
0x34: {  	v19 =	vld [tilespmem:$0x82F0];
	_ =	swait.ge [sflag:s17], $0x4000  }
0x35: {  	[sflag:s17] =	ssyncset.done $0x0  }
0x36: {  	s24 =	simm.s32 $0x280;
	[sflag:s17] =	ssyncadd.s32 $0xFFFFC000  }
0x37: {  	v32 =	vld [tilespmem:s24+$0xFFFFFF80]  }
0x38: {  	v33 =	vld [tilespmem:s24+$0xFFFFFF90]  }
0x39: {  	v34 =	vld [tilespmem:s24+$0xFFFFFFA0]  }
0x3a: {  	v35 =	vld [tilespmem:s24+$0xFFFFFFB0]  }
0x3b: {  	v36 =	vld [tilespmem:s24+$0xFFFFFFC0]  }
0x3c: {  	v37 =	vld [tilespmem:s24+$0xFFFFFFD0];
	v32 =	vadd.f32 v32, v24  }
0x3d: {  	v38 =	vld [tilespmem:s24+$0xFFFFFFE0];
	v33 =	vadd.f32 v33, v25  }
0x3e: {  	v56 =	vld [tilespmem:s24+$0x0];
	v55 =	vadd.f32 v34, v26;
	[tilespmem:s24+$0xFFFFFF80] =	vst v32  }
0x3f: {  	v58 =	vld [tilespmem:s24+$0x10];
	v57 =	vadd.f32 v35, v31;
	[tilespmem:s24+$0xFFFFFF90] =	vst v33  }
0x40: {  	v60 =	vld [tilespmem:s24+$0x20];
	v59 =	vadd.f32 v36, v28;
	[tilespmem:s24+$0xFFFFFFA0] =	vst v55  }
0x41: {  	v39 =	vld [tilespmem:s24+$0x30];
	v61 =	vadd.f32 v37, v29;
	[tilespmem:s24+$0xFFFFFFB0] =	vst v57  }
0x42: {  	v62 =	vadd.f32 v38, v30;
	[tilespmem:s24+$0xFFFFFFC0] =	vst v59;
	v32 =	vld [tilespmem:s24+$0x40]  }
0x43: {  	v34 =	vadd.f32 v56, v24;
	[tilespmem:s24+$0xFFFFFFD0] =	vst v61;
	v33 =	vld [tilespmem:s24+$0x50]  }
0x44: {  	v63 =	vadd.f32 v58, v25;
	v35 =	vld [tilespmem:s24+$0x60];
	[tilespmem:s24+$0xFFFFFFE0] =	vst v62  }
0x45: {  	v37 =	vadd.f32 v60, v26;
	v36 =	vld [tilespmem:s24+$0x70];
	[tilespmem:s24+$0x0] =	vst v34  }
0x46: {  	s25 =	simm.s32 $0x0;
	s26 =	simm.s32 $0x380;
	v38 =	vadd.f32 v39, v31;
	v34 =	vld [tilespmem:s24+$0xFFFFFFF0];
	[tilespmem:s24+$0x10] =	vst v63  }
.LBB2_2:
0x47: {  	v39 =	vld [tilespmem:s26+$0xFFFFFF80];
	[tilespmem:s24+$0x20] =	vst v37;
	v32 =	vadd.f32 v32, v28  }
0x48: {  	v37 =	vld [tilespmem:s26+$0xFFFFFF90];
	[tilespmem:s24+$0x30] =	vst v38;
	v33 =	vadd.f32 v33, v29  }
0x49: {  	v38 =	vld [tilespmem:s26+$0xFFFFFFA0];
	[tilespmem:s24+$0x40] =	vst v32;
	v32 =	vadd.f32 v35, v30  }
0x4a: {  	v35 =	vld [tilespmem:s26+$0xFFFFFFB0];
	[tilespmem:s24+$0x50] =	vst v33;
	v33 =	vadd.f32 v36, v27  }
0x4b: {  	v36 =	vld [tilespmem:s26+$0xFFFFFFC0];
	v34 =	vadd.f32 v34, v27;
	[tilespmem:s24+$0x60] =	vst v32  }
0x4c: {  	v32 =	vadd.f32 v39, v24;
	v39 =	vld [tilespmem:s26+$0xFFFFFFD0];
	[tilespmem:s24+$0x70] =	vst v33  }
0x4d: {  	v33 =	vadd.f32 v37, v25;
	v37 =	vld [tilespmem:s26+$0xFFFFFFE0];
	[tilespmem:s24+$0xFFFFFFF0] =	vst v34;
	s24 =	smov.u32 s26  }
0x4e: {  	[tilespmem:s26+$0xFFFFFF80] =	vst v32;
	v32 =	vadd.f32 v38, v26;
	v34 =	vld [tilespmem:s26+$0x0]  }
0x4f: {  	[tilespmem:s26+$0xFFFFFF90] =	vst v33;
	v33 =	vadd.f32 v35, v31;
	v35 =	vld [tilespmem:s26+$0x10]  }
0x50: {  	s25 =	sadd.s32 $0x2, s25;
	[tilespmem:s26+$0xFFFFFFA0] =	vst v32;
	v32 =	vadd.f32 v36, v28;
	v36 =	vld [tilespmem:s26+$0x20]  }
0x51: {  	p0 =	slt.u32 s25, $0x7E;
	[tilespmem:s26+$0xFFFFFFB0] =	vst v33;
	v33 =	vadd.f32 v39, v29;
	v38 =	vld [tilespmem:s26+$0x30]  }
.Ltmp0:
0x52: {  	[tilespmem:s26+$0xFFFFFFC0] =	vst v32;
	v37 =	vadd.f32 v37, v30;
	v32 =	vld [tilespmem:s26+$0x40];
	(pc) =	sbr.rel @p0 .LBB2_2-.Ltmp0, $4  }
0x53: {  	[tilespmem:s26+$0xFFFFFFD0] =	vst v33;
	v34 =	vadd.f32 v34, v24;
	v33 =	vld [tilespmem:s26+$0x50]  }
0x54: {  	[tilespmem:s26+$0xFFFFFFE0] =	vst v37;
	v39 =	vadd.f32 v35, v25;
	v35 =	vld [tilespmem:s26+$0x60]  }
0x55: {  	[tilespmem:s26+$0x0] =	vst v34;
	v37 =	vadd.f32 v36, v26;
	v36 =	vld [tilespmem:s26+$0x70]  }
0x56: {  	s26 =	sadd.s32 $0x100, s26;
	v34 =	vld [tilespmem:s24+$0xFFFFFFF0];
	[tilespmem:s24+$0x10] =	vst v39;
	v38 =	vadd.f32 v38, v31  }
0x57: {  	[tilespmem:s24+$0x20] =	vst v37;
	v24 =	vadd.f32 v32, v28  }
0x58: {  	[tilespmem:s24+$0x30] =	vst v38;
	v25 =	vadd.f32 v33, v29  }
0x59: {  	[tilespmem:s24+$0x40] =	vst v24;
	v24 =	vadd.f32 v35, v30  }
0x5a: {  	[tilespmem:s24+$0x50] =	vst v25;
	v25 =	vadd.f32 v36, v27  }
0x5b: {  	v26 =	vadd.f32 v34, v27;
	[tilespmem:s24+$0x60] =	vst v24  }
0x5c: {  	[tilespmem:s24+$0x70] =	vst v25  }
0x5d: {  	[tilespmem:s24+$0xFFFFFFF0] =	vst v26  }
0x5e: {  	[hbm4b:s6+s12] =	stream.indirect.scatter [tilespmem:s15], [sflag:$0x3], $0x80, s18, s12, $0xb8;
	[tilespmem:$0x8300] =	vst v63  }
0x5f: {  	_ =	swait.ge [sflag:s19], $0x4000  }
0x60: {  	[sflag:s19] =	ssyncset.done $0x0  }
0x61: {  	s24 =	simm.s32 $0x4280;
	[sflag:s19] =	ssyncadd.s32 $0xFFFFC000  }
0x62: {  	v24 =	vld [tilespmem:s24+$0xFFFFFF80]  }
0x63: {  	v25 =	vld [tilespmem:s24+$0xFFFFFF90]  }
0x64: {  	v26 =	vld [tilespmem:s24+$0xFFFFFFA0]  }
0x65: {  	v27 =	vld [tilespmem:s24+$0xFFFFFFB0]  }
0x66: {  	v28 =	vld [tilespmem:s24+$0xFFFFFFC0]  }
0x67: {  	v29 =	vld [tilespmem:s24+$0xFFFFFFD0];
	v24 =	vadd.f32 v24, v16  }
0x68: {  	v30 =	vld [tilespmem:s24+$0xFFFFFFE0];
	v25 =	vadd.f32 v25, v17  }
0x69: {  	[tilespmem:s24+$0xFFFFFF80] =	vst v24;
	v24 =	vadd.f32 v26, v18;
	v26 =	vld [tilespmem:s24+$0x0]  }
0x6a: {  	[tilespmem:s24+$0xFFFFFF90] =	vst v25;
	v25 =	vadd.f32 v27, v23;
	v27 =	vld [tilespmem:s24+$0x10]  }
0x6b: {  	[tilespmem:s24+$0xFFFFFFA0] =	vst v24;
	v24 =	vadd.f32 v28, v20;
	v28 =	vld [tilespmem:s24+$0x20]  }
0x6c: {  	v31 =	vld [tilespmem:s24+$0x30];
	[tilespmem:s24+$0xFFFFFFB0] =	vst v25;
	v25 =	vadd.f32 v29, v21  }
0x6d: {  	v29 =	vadd.f32 v30, v22;
	[tilespmem:s24+$0xFFFFFFC0] =	vst v24;
	v24 =	vld [tilespmem:s24+$0x40]  }
0x6e: {  	[tilespmem:s24+$0xFFFFFFD0] =	vst v25;
	v25 =	vld [tilespmem:s24+$0x50];
	v26 =	vadd.f32 v26, v16  }
0x6f: {  	[tilespmem:s24+$0xFFFFFFE0] =	vst v29;
	v30 =	vadd.f32 v27, v17;
	v27 =	vld [tilespmem:s24+$0x60]  }
0x70: {  	[tilespmem:s24+$0x0] =	vst v26;
	v29 =	vadd.f32 v28, v18;
	v28 =	vld [tilespmem:s24+$0x70]  }
0x71: {  	s25 =	simm.s32 $0x0;
	s26 =	simm.s32 $0x4380;
	v26 =	vld [tilespmem:s24+$0xFFFFFFF0];
	[tilespmem:s24+$0x10] =	vst v30;
	v30 =	vadd.f32 v31, v23  }
.LBB2_4:
0x72: {  	v31 =	vld [tilespmem:s26+$0xFFFFFF80];
	[tilespmem:s24+$0x20] =	vst v29;
	v24 =	vadd.f32 v24, v20  }
0x73: {  	v29 =	vld [tilespmem:s26+$0xFFFFFF90];
	[tilespmem:s24+$0x30] =	vst v30;
	v25 =	vadd.f32 v25, v21  }
0x74: {  	v30 =	vld [tilespmem:s26+$0xFFFFFFA0];
	[tilespmem:s24+$0x40] =	vst v24;
	v24 =	vadd.f32 v27, v22  }
0x75: {  	v27 =	vld [tilespmem:s26+$0xFFFFFFB0];
	[tilespmem:s24+$0x50] =	vst v25;
	v25 =	vadd.f32 v28, v19  }
0x76: {  	v28 =	vld [tilespmem:s26+$0xFFFFFFC0];
	v26 =	vadd.f32 v26, v19;
	[tilespmem:s24+$0x60] =	vst v24  }
0x77: {  	v24 =	vadd.f32 v31, v16;
	v31 =	vld [tilespmem:s26+$0xFFFFFFD0];
	[tilespmem:s24+$0x70] =	vst v25  }
0x78: {  	v25 =	vadd.f32 v29, v17;
	v29 =	vld [tilespmem:s26+$0xFFFFFFE0];
	[tilespmem:s24+$0xFFFFFFF0] =	vst v26;
	s24 =	smov.u32 s26  }
0x79: {  	[tilespmem:s26+$0xFFFFFF80] =	vst v24;
	v24 =	vadd.f32 v30, v18;
	v26 =	vld [tilespmem:s26+$0x0]  }
0x7a: {  	[tilespmem:s26+$0xFFFFFF90] =	vst v25;
	v25 =	vadd.f32 v27, v23;
	v27 =	vld [tilespmem:s26+$0x10]  }
0x7b: {  	s25 =	sadd.s32 $0x2, s25;
	[tilespmem:s26+$0xFFFFFFA0] =	vst v24;
	v24 =	vadd.f32 v28, v20;
	v28 =	vld [tilespmem:s26+$0x20]  }
0x7c: {  	p0 =	slt.u32 s25, $0x7E;
	[tilespmem:s26+$0xFFFFFFB0] =	vst v25;
	v25 =	vadd.f32 v31, v21;
	v30 =	vld [tilespmem:s26+$0x30]  }
.Ltmp1:
0x7d: {  	[tilespmem:s26+$0xFFFFFFC0] =	vst v24;
	v29 =	vadd.f32 v29, v22;
	v24 =	vld [tilespmem:s26+$0x40];
	(pc) =	sbr.rel @p0 .LBB2_4-.Ltmp1, $4  }
0x7e: {  	[tilespmem:s26+$0xFFFFFFD0] =	vst v25;
	v26 =	vadd.f32 v26, v16;
	v25 =	vld [tilespmem:s26+$0x50]  }
0x7f: {  	[tilespmem:s26+$0xFFFFFFE0] =	vst v29;
	v31 =	vadd.f32 v27, v17;
	v27 =	vld [tilespmem:s26+$0x60]  }
0x80: {  	[tilespmem:s26+$0x0] =	vst v26;
	v29 =	vadd.f32 v28, v18;
	v28 =	vld [tilespmem:s26+$0x70]  }
0x81: {  	s26 =	sadd.s32 $0x100, s26;
	v26 =	vld [tilespmem:s24+$0xFFFFFFF0];
	[tilespmem:s24+$0x10] =	vst v31;
	v30 =	vadd.f32 v30, v23  }
0x82: {  	[tilespmem:s24+$0x20] =	vst v29;
	v16 =	vadd.f32 v24, v20  }
0x83: {  	[tilespmem:s24+$0x30] =	vst v30;
	v17 =	vadd.f32 v25, v21  }
0x84: {  	[tilespmem:s24+$0x40] =	vst v16;
	v16 =	vadd.f32 v27, v22  }
0x85: {  	[tilespmem:s24+$0x50] =	vst v17;
	v17 =	vadd.f32 v28, v19  }
0x86: {  	v18 =	vadd.f32 v26, v19;
	[tilespmem:s24+$0x60] =	vst v16  }
0x87: {  	[tilespmem:s24+$0x70] =	vst v17  }
0x88: {  	s23 =	sadd.s32 $0x1, s23;
	[tilespmem:s24+$0xFFFFFFF0] =	vst v18  }
0x89: {  	[hbm4b:s6+s12] =	stream.indirect.scatter [tilespmem:s16], [sflag:$0x4], $0x80, s20, s12, $0xb8;
	[tilespmem:$0x8300] =	vst v63  }
0x8a: {  	p0 =	sne.s32 s23, s10;
	_ =	swait.ge [sflag:s21], $0x4000  }
.Ltmp2:
0x8b: {  	[sflag:s21] =	ssyncset.done $0x0;
	(pc) =	sbr.rel @p0 .LBB2_1-.Ltmp2, $4  }
0x8c: {  	[sflag:s21] =	ssyncadd.s32 $0xFFFFC000  }
0x8d: {  	_ =	swait.ge [sflag:s22], $0x4000  }
0x8e: {  	[sflag:s22] =	ssyncset.done $0x0  }
0x8f: {  	[sflag:s22] =	ssyncadd.s32 $0xFFFFC000  }
0x90: {  	_ =	sfence.sel $0x180000  }
0x91: {  	[bflag:$0x0] =	sbarrier.arrive $0xFFFF  }
0x92: {  	p0 =	sne.s32 s0, $0x0;
	_ =	strace $0x90000047  }
0x93: {  	s0 =	sadd.s32 @!p0 $0x100000, s5;
	[bflag:$0x2] =	sbarrier.arrive $0xFFFF  }
0x94: {  	[sflag:s0] =	ssyncadd.tile.s32 @!p0 $0x1;
	_ =	shalt  }
.Lfunc_end2:
_tile_overlayer_lowered:
.L_overlay_start_2:
0x95: {  	(tag) =	ssettag $0x2  }
0x96: {  	s0 =	rddreg [dreg:$0x0];
	s2 =	stileid.u32  }
0x97: {  	s1 =	rddreg [dreg:$0x1];
	p0 =	sne.s32 s2, $0x0  }
0x98: {  	s3 =	rddreg [dreg:$0x2];
	[bflag:$0x3] =	sbarrier.arrive $0xFFFF;
	s2 =	simm.s32 @!p0 $0x1C05  }
0x99: {  	[timem:s3], [sflag:s2] =	dma.local @!p0 [hbm:s0], s1  }
0x9a: {  	s0 =	simm.s32 @!p0 $0x5  }
0x9b: {  	_ =	swait.ge @!p0 [sflag:s0], s1  }
0x9c: {  	s1 =	ssub.s32 @!p0 $0x0, s1;
	[sflag:s0] =	ssyncset.done @!p0 $0x0  }
0x9d: {  	[sflag:s0] =	ssyncadd.s32 @!p0 s1  }
0x9e: {  	[bflag:$0x3] =	sbarrier.arrive $0xFFFF  }
0x9f: {  	_ =	shalt  }

</sc_bundles>
